<compile_context>
chip_gen: v7x
topology: tpu7x:2x2x1
jax: 0.10.2.dev20260603
libtpu: 0.0.44.dev20260713+nightly
codegen_flags: <defaults>
</compile_context>

<pallas_src>
import jax
import jax.numpy as jnp
from jax import lax
from jax.experimental import pallas as pl
from jax.experimental.pallas import tpu as pltpu
from jax.experimental.pallas import tpu_sc as plsc
from jax._src.pallas.mosaic import sc_lowering as _sc_lowering
from jax._src.lib.mlir.dialects import math as _mlir_math

@_sc_lowering.register_lowering_rule(lax.rsqrt_p)
def _sc_rsqrt_rule(ctx, x, accuracy=None):
    del ctx, accuracy
    return _mlir_math.rsqrt(x)

B = 1024
T = 200
C = 64
N = B * T

NC = 2
NS = 16
NW = NC * NS
L = 16

B_PER_W = B // NW
ROWS_PER_W = N // NW
CHUNK = T
NCHUNK = B_PER_W
NB = 2
PAIRS = NCHUNK // NB
W0 = 128
W1 = CHUNK - W0

EPS = 1e-5


def _body(x_hbm, temb_hbm, pemb_hbm, gamma_hbm, beta_hbm, out_hbm,
          idx_all, rows_v, out_v, pemb_v, g_v, b_v,
          gsem0, gsem1, wsem0, wsem1):
    gsem = (gsem0, gsem1)
    wsem = (wsem0, wsem1)
    wid = lax.axis_index("s") * NC + lax.axis_index("c")
    base = wid * ROWS_PER_W
    base_b = wid * B_PER_W

    pltpu.sync_copy(pemb_hbm, pemb_v)
    pltpu.sync_copy(gamma_hbm, g_v)
    pltpu.sync_copy(beta_hbm, b_v)
    pltpu.sync_copy(x_hbm.at[pl.ds(pl.multiple_of(base, ROWS_PER_W),
                                   ROWS_PER_W)], idx_all)

    gv = [g_v[pl.ds(c * L, L)] for c in range(C // L)]
    bv = [b_v[pl.ds(c * L, L)] for c in range(C // L)]

    def gather_descs(c, b, make_only=False):
        off = pl.multiple_of(c * CHUNK, 8)
        mk = pltpu.make_async_copy if make_only else pltpu.async_copy
        d0 = mk(temb_hbm.at[idx_all.at[pl.ds(off, W0)]],
                rows_v.at[b, pl.ds(0, W0)], gsem[b])
        d1 = mk(temb_hbm.at[idx_all.at[pl.ds(off + W0, W1)]],
                rows_v.at[b, pl.ds(W0, W1)], gsem[b])
        return d0, d1

    def write_desc(c, b):
        return pltpu.make_async_copy(out_v.at[b], out_hbm.at[base_b + c],
                                     wsem[b])

    gather_descs(0, 0)
    gather_descs(1, 1)

    def pair_body(m, carry):
        for b in range(NB):
            c = m * NB + b
            for d in gather_descs(c, b, make_only=True):
                d.wait()

            @pl.when(m > 0)
            def _wait_prev():
                write_desc(c - NB, b).wait()

            RB = 4

            def blk_body(mm, carry2):
                r0 = mm * RB
                h = [[rows_v[b, r0 + i, pl.ds(ci * L, L)]
                      + pemb_v[r0 + i, pl.ds(ci * L, L)]
                      for ci in range(C // L)]
                     for i in range(RB)]
                s = [(hh[0] + hh[1]) + (hh[2] + hh[3]) for hh in h]
                sq = [((hh[0] * hh[0] + hh[1] * hh[1])
                       + (hh[2] * hh[2] + hh[3] * hh[3])) for hh in h]
                mean = [jnp.broadcast_to(jnp.sum(xx), (L,)) * (1.0 / C)
                        for xx in s]
                ms2 = [jnp.broadcast_to(jnp.sum(xx), (L,)) * (1.0 / C)
                       for xx in sq]
                var = [m2 - mu * mu for m2, mu in zip(ms2, mean)]
                rstd = [lax.rsqrt(v + EPS) for v in var]
                mr = [mu * rs for mu, rs in zip(mean, rstd)]
                for i in range(RB):
                    for ci in range(C // L):
                        hn = h[i][ci] * rstd[i] - mr[i]
                        out_v[b, r0 + i, pl.ds(ci * L, L)] = (
                            hn * gv[ci] + bv[ci])
                return carry2

            lax.fori_loop(0, CHUNK // RB, blk_body, jnp.int32(0))

            pltpu.async_copy(out_v.at[b], out_hbm.at[base_b + c], wsem[b])

            @pl.when(c + NB < NCHUNK)
            def _prefetch():
                gather_descs(c + NB, b)
        return carry

    lax.fori_loop(0, PAIRS, pair_body, jnp.int32(0))

    for b in range(NB):
        write_desc(NCHUNK - NB + b, b).wait()


def _run(x1, temb, pemb, gamma, beta):
    mesh = plsc.VectorSubcoreMesh(
        core_axis_name="c", subcore_axis_name="s",
        num_cores=NC, num_subcores=NS)
    f = pl.kernel(
        _body,
        out_type=jax.ShapeDtypeStruct((B, T, C), jnp.float32),
        mesh=mesh,
        scratch_types=[
            pltpu.VMEM((ROWS_PER_W,), jnp.int32),
            pltpu.VMEM((NB, CHUNK, C), jnp.float32),
            pltpu.VMEM((NB, CHUNK, C), jnp.float32),
            pltpu.VMEM((T, C), jnp.float32),
            pltpu.VMEM((C,), jnp.float32),
            pltpu.VMEM((C,), jnp.float32),
            pltpu.SemaphoreType.DMA,
            pltpu.SemaphoreType.DMA,
            pltpu.SemaphoreType.DMA,
            pltpu.SemaphoreType.DMA,
        ],
        compiler_params=pltpu.CompilerParams(
            needs_layout_passes=False, use_tc_tiling_on_sc=False),
    )
    return f(x1, temb, pemb, gamma, beta)


@jax.jit
def _kernel_impl(x, temb, pemb, gamma, beta):
    return _run(x.reshape(N), temb, pemb, gamma, beta)


def kernel(x, temb, pemb, gamma, beta):
    return _kernel_impl(x, temb, pemb, gamma, beta)

# --- scband reference (transcript-rebuilt; emitter-appended) ---
"""Pipeline reference for scband-en-p-53704271069519 (READ-ONLY COPY).

The authoritative reference and input builder live on the scoring server;
editing this copy changes nothing except your own understanding.
"""

import jax, jax.numpy as jnp
import numpy as np

VOCAB = 100000
C = 64
T = 200
B = 1024

def setup_inputs(seed: int = 0) -> dict:
    key = jax.random.key(seed)
    k1, k2, k3 = jax.random.split(key, 3)
    x = jax.random.randint(k1, (B, T), 0, VOCAB, dtype=jnp.int32)
    temb = jax.random.normal(k2, (VOCAB, C), dtype=jnp.float32) * 0.02
    pemb = jax.random.normal(k3, (T, C), dtype=jnp.float32) * 0.02
    gamma = jnp.ones((C,), dtype=jnp.float32)
    beta = jnp.zeros((C,), dtype=jnp.float32)
    return {"x": x, "temb": temb, "pemb": pemb, "gamma": gamma, "beta": beta}

def reference(x, temb, pemb, gamma, beta):
    # token embedding lookup
    x1 = jnp.take(temb, x, axis=0)              # [B, T, C]
    # positional embedding lookup
    t = x.shape[1]
    pos = jnp.arange(t, dtype=jnp.int32)
    x2 = jnp.take(pemb, pos, axis=0)            # [T, C]
    h = x1 + x2[None, :, :]                     # dropout p=0.0 -> identity
    # LayerNorm over last dim (eps=1e-5, matching nn.LayerNorm default)
    mean = jnp.mean(h, axis=-1, keepdims=True)
    var = jnp.mean((h - mean) ** 2, axis=-1, keepdims=True)
    hn = (h - mean) / jnp.sqrt(var + 1e-5)
    return hn * gamma + beta

if __name__ == "__main__":
    import jax
    _d = setup_inputs()
    print(jax.jit(kernel)(*tuple(_d.values())))

</pallas_src>

<mosaic_0001>
#map = affine_map<(d0, d1) -> (0)>
#map1 = affine_map<(d0, d1) -> (0, 0)>
#map2 = affine_map<(d0, d1) -> (0, 0, 0)>
module attributes {stable_mosaic.version = 14 : i64} {
  func.func @_body(%arg0: i32, %arg1: i32, %arg2: memref<204800xi32, #tpu.memory_space<hbm>>, %arg3: memref<100000x64xf32, #tpu.memory_space<hbm>>, %arg4: memref<200x64xf32, #tpu.memory_space<hbm>>, %arg5: memref<64xf32, #tpu.memory_space<hbm>>, %arg6: memref<64xf32, #tpu.memory_space<hbm>>, %arg7: memref<1024x200x64xf32, #tpu.memory_space<hbm>>, %arg8: memref<6400xi32, #tpu.memory_space<vmem>>, %arg9: memref<2x200x64xf32, #tpu.memory_space<vmem>>, %arg10: memref<2x200x64xf32, #tpu.memory_space<vmem>>, %arg11: memref<200x64xf32, #tpu.memory_space<vmem>>, %arg12: memref<64xf32, #tpu.memory_space<vmem>>, %arg13: memref<64xf32, #tpu.memory_space<vmem>>, %arg14: memref<!tpu.dma_semaphore, #tpu.memory_space<semaphore_mem>>, %arg15: memref<!tpu.dma_semaphore, #tpu.memory_space<semaphore_mem>>, %arg16: memref<!tpu.dma_semaphore, #tpu.memory_space<semaphore_mem>>, %arg17: memref<!tpu.dma_semaphore, #tpu.memory_space<semaphore_mem>>) attributes {dimension_semantics = [#tpu.dimension_semantics<core_parallel>, #tpu.dimension_semantics<subcore_parallel>], iteration_bounds = array<i64: 2, 16>, scalar_prefetch = 0 : i64, scratch_operands = 10 : i64, tpu.core_type = #tpu.core_type<sc_vector_subcore>, window_params = [{transform_indices = #map}, {transform_indices = #map1}, {transform_indices = #map1}, {transform_indices = #map}, {transform_indices = #map}, {transform_indices = #map2}]} {
    %mul3A = arith.constant 2 : i32
    %mul3A_0 = arith.muli %arg1, %mul3A : i32
    %add3A = arith.addi %mul3A_0, %arg0 : i32
    %mul3A_1 = arith.constant 6400 : i32
    %mul3A_2 = arith.muli %add3A, %mul3A_1 : i32
    %mul3A_3 = arith.constant 32 : i32
    %mul3A_4 = arith.muli %add3A, %mul3A_3 : i32
    "tpu.region"() ({
      %run_scoped3A = tpu.sem_alloc : memref<!tpu.dma_semaphore, #tpu.memory_space<semaphore_mem>>
      tpu.enqueue_dma source(%arg4 : memref<200x64xf32, #tpu.memory_space<hbm>>) target(%arg11 : memref<200x64xf32, #tpu.memory_space<vmem>>) target_semaphore(%run_scoped3A : memref<!tpu.dma_semaphore, #tpu.memory_space<semaphore_mem>>)
      tpu.wait_dma2 semaphore(%run_scoped3A : memref<!tpu.dma_semaphore, #tpu.memory_space<semaphore_mem>>) src(%arg4 : memref<200x64xf32, #tpu.memory_space<hbm>>) dst(%arg11 : memref<200x64xf32, #tpu.memory_space<vmem>>)
      tpu.yield
    }) : () -> ()
    "tpu.region"() ({
      %run_scoped3A = tpu.sem_alloc : memref<!tpu.dma_semaphore, #tpu.memory_space<semaphore_mem>>
      tpu.enqueue_dma source(%arg5 : memref<64xf32, #tpu.memory_space<hbm>>) target(%arg12 : memref<64xf32, #tpu.memory_space<vmem>>) target_semaphore(%run_scoped3A : memref<!tpu.dma_semaphore, #tpu.memory_space<semaphore_mem>>)
      tpu.wait_dma2 semaphore(%run_scoped3A : memref<!tpu.dma_semaphore, #tpu.memory_space<semaphore_mem>>) src(%arg5 : memref<64xf32, #tpu.memory_space<hbm>>) dst(%arg12 : memref<64xf32, #tpu.memory_space<vmem>>)
      tpu.yield
    }) : () -> ()
    "tpu.region"() ({
      %run_scoped3A = tpu.sem_alloc : memref<!tpu.dma_semaphore, #tpu.memory_space<semaphore_mem>>
      tpu.enqueue_dma source(%arg6 : memref<64xf32, #tpu.memory_space<hbm>>) target(%arg13 : memref<64xf32, #tpu.memory_space<vmem>>) target_semaphore(%run_scoped3A : memref<!tpu.dma_semaphore, #tpu.memory_space<semaphore_mem>>)
      tpu.wait_dma2 semaphore(%run_scoped3A : memref<!tpu.dma_semaphore, #tpu.memory_space<semaphore_mem>>) src(%arg6 : memref<64xf32, #tpu.memory_space<hbm>>) dst(%arg13 : memref<64xf32, #tpu.memory_space<vmem>>)
      tpu.yield
    }) : () -> ()
    %multiple_of3A = tpu.assume_multiple %mul3A_2, 6400 : i32
    "tpu.region"() ({
      %run_scoped3A = tpu.sem_alloc : memref<!tpu.dma_semaphore, #tpu.memory_space<semaphore_mem>>
      %dma_start3A_105 = tpu.memref_slice %arg2[%multiple_of3A] : memref<204800xi32, #tpu.memory_space<hbm>> -> memref<6400xi32, #tpu.memory_space<hbm>>
      %dma_start3A_106 = tpu.memref_slice %arg2[%multiple_of3A] : memref<204800xi32, #tpu.memory_space<hbm>> -> memref<6400xi32, #tpu.memory_space<hbm>>
      tpu.enqueue_dma source(%dma_start3A_106 : memref<6400xi32, #tpu.memory_space<hbm>>) target(%arg8 : memref<6400xi32, #tpu.memory_space<vmem>>) target_semaphore(%run_scoped3A : memref<!tpu.dma_semaphore, #tpu.memory_space<semaphore_mem>>)
      %dma_wait3A_107 = tpu.memref_slice %arg2[%multiple_of3A] : memref<204800xi32, #tpu.memory_space<hbm>> -> memref<6400xi32, #tpu.memory_space<hbm>>
      %dma_wait3A_108 = tpu.memref_slice %arg2[%multiple_of3A] : memref<204800xi32, #tpu.memory_space<hbm>> -> memref<6400xi32, #tpu.memory_space<hbm>>
      tpu.wait_dma2 semaphore(%run_scoped3A : memref<!tpu.dma_semaphore, #tpu.memory_space<semaphore_mem>>) src(%dma_wait3A_108 : memref<6400xi32, #tpu.memory_space<hbm>>) dst(%arg8 : memref<6400xi32, #tpu.memory_space<vmem>>)
      tpu.yield
    }) : () -> ()
    %get3A = arith.constant 0 : index
    %get3A_5 = tpu.vector_load %arg12[%get3A] {strides = array<i32>} : memref<64xf32, #tpu.memory_space<vmem>>, vector<16xf32>,
    %get3A_6 = arith.constant 16 : index
    %get3A_7 = tpu.vector_load %arg12[%get3A_6] {strides = array<i32>} : memref<64xf32, #tpu.memory_space<vmem>>, vector<16xf32>,
    %get3A_8 = arith.constant 32 : index
    %get3A_9 = tpu.vector_load %arg12[%get3A_8] {strides = array<i32>} : memref<64xf32, #tpu.memory_space<vmem>>, vector<16xf32>,
    %get3A_10 = arith.constant 48 : index
    %get3A_11 = tpu.vector_load %arg12[%get3A_10] {strides = array<i32>} : memref<64xf32, #tpu.memory_space<vmem>>, vector<16xf32>,
    %get3A_12 = arith.constant 0 : index
    %get3A_13 = tpu.vector_load %arg13[%get3A_12] {strides = array<i32>} : memref<64xf32, #tpu.memory_space<vmem>>, vector<16xf32>,
    %get3A_14 = arith.constant 16 : index
    %get3A_15 = tpu.vector_load %arg13[%get3A_14] {strides = array<i32>} : memref<64xf32, #tpu.memory_space<vmem>>, vector<16xf32>,
    %get3A_16 = arith.constant 32 : index
    %get3A_17 = tpu.vector_load %arg13[%get3A_16] {strides = array<i32>} : memref<64xf32, #tpu.memory_space<vmem>>, vector<16xf32>,
    %get3A_18 = arith.constant 48 : index
    %get3A_19 = tpu.vector_load %arg13[%get3A_18] {strides = array<i32>} : memref<64xf32, #tpu.memory_space<vmem>>, vector<16xf32>,
    %multiple_of3A_20 = arith.constant 0 : i32
    %multiple_of3A_21 = tpu.assume_multiple %multiple_of3A_20, 8 : i32
    %dma_start3A = arith.constant 0 : i32
    %dma_start3A_22 = arith.constant 0 : i32
    %dma_start3A_23 = arith.constant 0 : i32
    %dma_start3A_24 = tpu.memref_slice %arg9[%dma_start3A, %dma_start3A_22, %dma_start3A_23] : memref<2x200x64xf32, #tpu.memory_space<vmem>> -> memref<1x128x64xf32, #tpu.memory_space<vmem>>
    %dma_start3A_25 = tpu.memref_squeeze %dma_start3A_24 : memref<1x128x64xf32, #tpu.memory_space<vmem>> -> memref<128x64xf32, #tpu.memory_space<vmem>>
    %dma_start3A_26 = tpu.memref_slice %arg8[%multiple_of3A_21] : memref<6400xi32, #tpu.memory_space<vmem>> -> memref<128xi32, #tpu.memory_space<vmem>>
    %dma_start3A_27 = arith.constant 0 : i32
    %dma_start3A_28 = arith.constant 0 : i32
    %dma_start3A_29 = tpu.memref_slice %arg3[%dma_start3A_27, %dma_start3A_28] : memref<100000x64xf32, #tpu.memory_space<hbm>> -> memref<100000x64xf32, #tpu.memory_space<hbm>>
    tpu.enqueue_indirect_dma source(%dma_start3A_29 : memref<100000x64xf32, #tpu.memory_space<hbm>>) target(%dma_start3A_25 : memref<128x64xf32, #tpu.memory_space<vmem>>) offsets(%dma_start3A_26 : memref<128xi32, #tpu.memory_space<vmem>>) semaphore(%arg14 : memref<!tpu.dma_semaphore, #tpu.memory_space<semaphore_mem>>)
    %add3A_30 = arith.constant 128 : i32
    %add3A_31 = arith.addi %multiple_of3A_21, %add3A_30 : i32
    %dma_start3A_32 = arith.constant 0 : i32
    %dma_start3A_33 = arith.constant 128 : i32
    %dma_start3A_34 = arith.constant 0 : i32
    %dma_start3A_35 = tpu.memref_slice %arg9[%dma_start3A_32, %dma_start3A_33, %dma_start3A_34] : memref<2x200x64xf32, #tpu.memory_space<vmem>> -> memref<1x72x64xf32, #tpu.memory_space<vmem>>
    %dma_start3A_36 = tpu.memref_squeeze %dma_start3A_35 : memref<1x72x64xf32, #tpu.memory_space<vmem>> -> memref<72x64xf32, #tpu.memory_space<vmem>>
    %dma_start3A_37 = tpu.memref_slice %arg8[%add3A_31] : memref<6400xi32, #tpu.memory_space<vmem>> -> memref<72xi32, #tpu.memory_space<vmem>>
    %dma_start3A_38 = arith.constant 0 : i32
    %dma_start3A_39 = arith.constant 0 : i32
    %dma_start3A_40 = tpu.memref_slice %arg3[%dma_start3A_38, %dma_start3A_39] : memref<100000x64xf32, #tpu.memory_space<hbm>> -> memref<100000x64xf32, #tpu.memory_space<hbm>>
    tpu.enqueue_indirect_dma source(%dma_start3A_40 : memref<100000x64xf32, #tpu.memory_space<hbm>>) target(%dma_start3A_36 : memref<72x64xf32, #tpu.memory_space<vmem>>) offsets(%dma_start3A_37 : memref<72xi32, #tpu.memory_space<vmem>>) semaphore(%arg14 : memref<!tpu.dma_semaphore, #tpu.memory_space<semaphore_mem>>)
    %multiple_of3A_41 = arith.constant 200 : i32
    %multiple_of3A_42 = tpu.assume_multiple %multiple_of3A_41, 8 : i32
    %dma_start3A_43 = arith.constant 1 : i32
    %dma_start3A_44 = arith.constant 0 : i32
    %dma_start3A_45 = arith.constant 0 : i32
    %dma_start3A_46 = tpu.memref_slice %arg9[%dma_start3A_43, %dma_start3A_44, %dma_start3A_45] : memref<2x200x64xf32, #tpu.memory_space<vmem>> -> memref<1x128x64xf32, #tpu.memory_space<vmem>>
    %dma_start3A_47 = tpu.memref_squeeze %dma_start3A_46 : memref<1x128x64xf32, #tpu.memory_space<vmem>> -> memref<128x64xf32, #tpu.memory_space<vmem>>
    %dma_start3A_48 = tpu.memref_slice %arg8[%multiple_of3A_42] : memref<6400xi32, #tpu.memory_space<vmem>> -> memref<128xi32, #tpu.memory_space<vmem>>
    %dma_start3A_49 = arith.constant 0 : i32
    %dma_start3A_50 = arith.constant 0 : i32
    %dma_start3A_51 = tpu.memref_slice %arg3[%dma_start3A_49, %dma_start3A_50] : memref<100000x64xf32, #tpu.memory_space<hbm>> -> memref<100000x64xf32, #tpu.memory_space<hbm>>
    tpu.enqueue_indirect_dma source(%dma_start3A_51 : memref<100000x64xf32, #tpu.memory_space<hbm>>) target(%dma_start3A_47 : memref<128x64xf32, #tpu.memory_space<vmem>>) offsets(%dma_start3A_48 : memref<128xi32, #tpu.memory_space<vmem>>) semaphore(%arg15 : memref<!tpu.dma_semaphore, #tpu.memory_space<semaphore_mem>>)
    %add3A_52 = arith.constant 128 : i32
    %add3A_53 = arith.addi %multiple_of3A_42, %add3A_52 : i32
    %dma_start3A_54 = arith.constant 1 : i32
    %dma_start3A_55 = arith.constant 128 : i32
    %dma_start3A_56 = arith.constant 0 : i32
    %dma_start3A_57 = tpu.memref_slice %arg9[%dma_start3A_54, %dma_start3A_55, %dma_start3A_56] : memref<2x200x64xf32, #tpu.memory_space<vmem>> -> memref<1x72x64xf32, #tpu.memory_space<vmem>>
    %dma_start3A_58 = tpu.memref_squeeze %dma_start3A_57 : memref<1x72x64xf32, #tpu.memory_space<vmem>> -> memref<72x64xf32, #tpu.memory_space<vmem>>
    %dma_start3A_59 = tpu.memref_slice %arg8[%add3A_53] : memref<6400xi32, #tpu.memory_space<vmem>> -> memref<72xi32, #tpu.memory_space<vmem>>
    %dma_start3A_60 = arith.constant 0 : i32
    %dma_start3A_61 = arith.constant 0 : i32
    %dma_start3A_62 = tpu.memref_slice %arg3[%dma_start3A_60, %dma_start3A_61] : memref<100000x64xf32, #tpu.memory_space<hbm>> -> memref<100000x64xf32, #tpu.memory_space<hbm>>
    tpu.enqueue_indirect_dma source(%dma_start3A_62 : memref<100000x64xf32, #tpu.memory_space<hbm>>) target(%dma_start3A_58 : memref<72x64xf32, #tpu.memory_space<vmem>>) offsets(%dma_start3A_59 : memref<72xi32, #tpu.memory_space<vmem>>) semaphore(%arg15 : memref<!tpu.dma_semaphore, #tpu.memory_space<semaphore_mem>>)
    %scan3A = arith.constant 0 : i32
    %scan3A_63 = arith.constant 0 : i32
    %scan3A_64 = arith.constant 16 : i32
    %scan3A_65 = arith.addi %scan3A_63, %scan3A_64 : i32
    %scan3A_66 = arith.constant 1 : i32
    scf.for %scan3A_105 = %scan3A_63 to %scan3A_65 step %scan3A_66  : i32 {
      %mul3A_106 = arith.constant 2 : i32
      %mul3A_107 = arith.muli %scan3A_105, %mul3A_106 : i32
      %add3A_108 = arith.constant 0 : i32
      %add3A_109 = arith.addi %mul3A_107, %add3A_108 : i32
      %mul3A_110 = arith.constant 200 : i32
      %mul3A_111 = arith.muli %add3A_109, %mul3A_110 : i32
      %multiple_of3A_112 = tpu.assume_multiple %mul3A_111, 8 : i32
      %add3A_113 = arith.constant 128 : i32
      %add3A_114 = arith.addi %multiple_of3A_112, %add3A_113 : i32
      %dma_wait3A_115 = arith.constant 0 : i32
      %dma_wait3A_116 = arith.constant 0 : i32
      %dma_wait3A_117 = arith.constant 0 : i32
      %dma_wait3A_118 = tpu.memref_slice %arg9[%dma_wait3A_115, %dma_wait3A_116, %dma_wait3A_117] : memref<2x200x64xf32, #tpu.memory_space<vmem>> -> memref<1x128x64xf32, #tpu.memory_space<vmem>>
      %dma_wait3A_119 = tpu.memref_squeeze %dma_wait3A_118 : memref<1x128x64xf32, #tpu.memory_space<vmem>> -> memref<128x64xf32, #tpu.memory_space<vmem>>
      %dma_wait3A_120 = tpu.memref_slice %arg8[%multiple_of3A_112] : memref<6400xi32, #tpu.memory_space<vmem>> -> memref<128xi32, #tpu.memory_space<vmem>>
      %dma_wait3A_121 = arith.constant 0 : i32
      %dma_wait3A_122 = arith.constant 0 : i32
      %dma_wait3A_123 = tpu.memref_slice %arg3[%dma_wait3A_121, %dma_wait3A_122] : memref<100000x64xf32, #tpu.memory_space<hbm>> -> memref<100000x64xf32, #tpu.memory_space<hbm>>
      tpu.wait_indirect_dma semaphore(%arg14 : memref<!tpu.dma_semaphore, #tpu.memory_space<semaphore_mem>>) src(%dma_wait3A_123 : memref<100000x64xf32, #tpu.memory_space<hbm>>) dst(%dma_wait3A_119 : memref<128x64xf32, #tpu.memory_space<vmem>>)
      %dma_wait3A_124 = arith.constant 0 : i32
      %dma_wait3A_125 = arith.constant 128 : i32
      %dma_wait3A_126 = arith.constant 0 : i32
      %dma_wait3A_127 = tpu.memref_slice %arg9[%dma_wait3A_124, %dma_wait3A_125, %dma_wait3A_126] : memref<2x200x64xf32, #tpu.memory_space<vmem>> -> memref<1x72x64xf32, #tpu.memory_space<vmem>>
      %dma_wait3A_128 = tpu.memref_squeeze %dma_wait3A_127 : memref<1x72x64xf32, #tpu.memory_space<vmem>> -> memref<72x64xf32, #tpu.memory_space<vmem>>
      %dma_wait3A_129 = tpu.memref_slice %arg8[%add3A_114] : memref<6400xi32, #tpu.memory_space<vmem>> -> memref<72xi32, #tpu.memory_space<vmem>>
      %dma_wait3A_130 = arith.constant 0 : i32
      %dma_wait3A_131 = arith.constant 0 : i32
      %dma_wait3A_132 = tpu.memref_slice %arg3[%dma_wait3A_130, %dma_wait3A_131] : memref<100000x64xf32, #tpu.memory_space<hbm>> -> memref<100000x64xf32, #tpu.memory_space<hbm>>
      tpu.wait_indirect_dma semaphore(%arg14 : memref<!tpu.dma_semaphore, #tpu.memory_space<semaphore_mem>>) src(%dma_wait3A_132 : memref<100000x64xf32, #tpu.memory_space<hbm>>) dst(%dma_wait3A_128 : memref<72x64xf32, #tpu.memory_space<vmem>>)
      %gt3A = arith.constant 0 : i32
      %gt3A_133 = arith.cmpi sgt, %scan3A_105, %gt3A : i32
      %convert_element_type3A = arith.extui %gt3A_133 : i1 to i32
      %cond3A = arith.constant 0 : i32
      %cond3A_134 = arith.cmpi ne, %convert_element_type3A, %cond3A : i32
      scf.if %cond3A_134 {
        %sub3A = arith.constant 2 : i32
        %sub3A_228 = arith.subi %add3A_109, %sub3A : i32
        %add3A_229 = arith.addi %mul3A_4, %sub3A_228 : i32
        %dma_wait3A_230 = arith.constant 0 : i32
        %dma_wait3A_231 = arith.constant 0 : i32
        %dma_wait3A_232 = arith.constant 0 : i32
        %dma_wait3A_233 = tpu.memref_slice %arg10[%dma_wait3A_230, %dma_wait3A_231, %dma_wait3A_232] : memref<2x200x64xf32, #tpu.memory_space<vmem>> -> memref<1x200x64xf32, #tpu.memory_space<vmem>>
        %dma_wait3A_234 = tpu.memref_squeeze %dma_wait3A_233 : memref<1x200x64xf32, #tpu.memory_space<vmem>> -> memref<200x64xf32, #tpu.memory_space<vmem>>
        %dma_wait3A_235 = arith.constant 0 : i32
        %dma_wait3A_236 = arith.constant 0 : i32
        %dma_wait3A_237 = tpu.memref_slice %arg7[%add3A_229, %dma_wait3A_235, %dma_wait3A_236] : memref<1024x200x64xf32, #tpu.memory_space<hbm>> -> memref<1x200x64xf32, #tpu.memory_space<hbm>>
        %dma_wait3A_238 = tpu.memref_squeeze %dma_wait3A_237 : memref<1x200x64xf32, #tpu.memory_space<hbm>> -> memref<200x64xf32, #tpu.memory_space<hbm>>
        %dma_wait3A_239 = arith.constant 0 : i32
        %dma_wait3A_240 = arith.constant 0 : i32
        %dma_wait3A_241 = tpu.memref_slice %arg7[%add3A_229, %dma_wait3A_239, %dma_wait3A_240] : memref<1024x200x64xf32, #tpu.memory_space<hbm>> -> memref<1x200x64xf32, #tpu.memory_space<hbm>>
        %dma_wait3A_242 = tpu.memref_squeeze %dma_wait3A_241 : memref<1x200x64xf32, #tpu.memory_space<hbm>> -> memref<200x64xf32, #tpu.memory_space<hbm>>
        %dma_wait3A_243 = arith.constant 0 : i32
        %dma_wait3A_244 = arith.constant 0 : i32
        %dma_wait3A_245 = tpu.memref_slice %arg10[%dma_wait3A_230, %dma_wait3A_243, %dma_wait3A_244] : memref<2x200x64xf32, #tpu.memory_space<vmem>> -> memref<1x200x64xf32, #tpu.memory_space<vmem>>
        %dma_wait3A_246 = tpu.memref_squeeze %dma_wait3A_245 : memref<1x200x64xf32, #tpu.memory_space<vmem>> -> memref<200x64xf32, #tpu.memory_space<vmem>>
        tpu.wait_dma2 semaphore(%arg16 : memref<!tpu.dma_semaphore, #tpu.memory_space<semaphore_mem>>) src(%dma_wait3A_246 : memref<200x64xf32, #tpu.memory_space<vmem>>) dst(%dma_wait3A_242 : memref<200x64xf32, #tpu.memory_space<hbm>>)
      } else {
      }
      %scan3A_135 = arith.constant 0 : i32
      %scan3A_136 = arith.constant 0 : i32
      %scan3A_137 = arith.constant 50 : i32
      %scan3A_138 = arith.addi %scan3A_136, %scan3A_137 : i32
      %scan3A_139 = arith.constant 1 : i32
      scf.for %scan3A_228 = %scan3A_136 to %scan3A_138 step %scan3A_139  : i32 {
        %mul3A_229 = arith.constant 4 : i32
        %mul3A_230 = arith.muli %scan3A_228, %mul3A_229 : i32
        %add3A_231 = arith.constant 0 : i32
        %add3A_232 = arith.addi %mul3A_230, %add3A_231 : i32
        %get3A_233 = arith.constant 0 : i32
        %get3A_234 = arith.index_cast %get3A_233 : i32 to index
        %get3A_235 = arith.index_cast %add3A_232 : i32 to index
        %get3A_236 = arith.constant 0 : index
        %get3A_237 = tpu.vector_load %arg9[%get3A_234, %get3A_235, %get3A_236] {strides = array<i32>} : memref<2x200x64xf32, #tpu.memory_space<vmem>>, vector<16xf32>,
        %add3A_238 = arith.constant 0 : i32
        %add3A_239 = arith.addi %mul3A_230, %add3A_238 : i32
        %get3A_240 = arith.index_cast %add3A_239 : i32 to index
        %get3A_241 = arith.constant 0 : index
        %get3A_242 = tpu.vector_load %arg11[%get3A_240, %get3A_241] {strides = array<i32>} : memref<200x64xf32, #tpu.memory_space<vmem>>, vector<16xf32>,
        %add3A_243 = arith.addf %get3A_237, %get3A_242 : vector<16xf32>
        %add3A_244 = arith.constant 0 : i32
        %add3A_245 = arith.addi %mul3A_230, %add3A_244 : i32
        %get3A_246 = arith.constant 0 : i32
        %get3A_247 = arith.index_cast %get3A_246 : i32 to index
        %get3A_248 = arith.index_cast %add3A_245 : i32 to index
        %get3A_249 = arith.constant 16 : index
        %get3A_250 = tpu.vector_load %arg9[%get3A_247, %get3A_248, %get3A_249] {strides = array<i32>} : memref<2x200x64xf32, #tpu.memory_space<vmem>>, vector<16xf32>,
        %add3A_251 = arith.constant 0 : i32
        %add3A_252 = arith.addi %mul3A_230, %add3A_251 : i32
        %get3A_253 = arith.index_cast %add3A_252 : i32 to index
        %get3A_254 = arith.constant 16 : index
        %get3A_255 = tpu.vector_load %arg11[%get3A_253, %get3A_254] {strides = array<i32>} : memref<200x64xf32, #tpu.memory_space<vmem>>, vector<16xf32>,
        %add3A_256 = arith.addf %get3A_250, %get3A_255 : vector<16xf32>
        %add3A_257 = arith.constant 0 : i32
        %add3A_258 = arith.addi %mul3A_230, %add3A_257 : i32
        %get3A_259 = arith.constant 0 : i32
        %get3A_260 = arith.index_cast %get3A_259 : i32 to index
        %get3A_261 = arith.index_cast %add3A_258 : i32 to index
        %get3A_262 = arith.constant 32 : index
        %get3A_263 = tpu.vector_load %arg9[%get3A_260, %get3A_261, %get3A_262] {strides = array<i32>} : memref<2x200x64xf32, #tpu.memory_space<vmem>>, vector<16xf32>,
        %add3A_264 = arith.constant 0 : i32
        %add3A_265 = arith.addi %mul3A_230, %add3A_264 : i32
        %get3A_266 = arith.index_cast %add3A_265 : i32 to index
        %get3A_267 = arith.constant 32 : index
        %get3A_268 = tpu.vector_load %arg11[%get3A_266, %get3A_267] {strides = array<i32>} : memref<200x64xf32, #tpu.memory_space<vmem>>, vector<16xf32>,
        %add3A_269 = arith.addf %get3A_263, %get3A_268 : vector<16xf32>
        %add3A_270 = arith.constant 0 : i32
        %add3A_271 = arith.addi %mul3A_230, %add3A_270 : i32
        %get3A_272 = arith.constant 0 : i32
        %get3A_273 = arith.index_cast %get3A_272 : i32 to index
        %get3A_274 = arith.index_cast %add3A_271 : i32 to index
        %get3A_275 = arith.constant 48 : index
        %get3A_276 = tpu.vector_load %arg9[%get3A_273, %get3A_274, %get3A_275] {strides = array<i32>} : memref<2x200x64xf32, #tpu.memory_space<vmem>>, vector<16xf32>,
        %add3A_277 = arith.constant 0 : i32
        %add3A_278 = arith.addi %mul3A_230, %add3A_277 : i32
        %get3A_279 = arith.index_cast %add3A_278 : i32 to index
        %get3A_280 = arith.constant 48 : index
        %get3A_281 = tpu.vector_load %arg11[%get3A_279, %get3A_280] {strides = array<i32>} : memref<200x64xf32, #tpu.memory_space<vmem>>, vector<16xf32>,
        %add3A_282 = arith.addf %get3A_276, %get3A_281 : vector<16xf32>
        %add3A_283 = arith.constant 1 : i32
        %add3A_284 = arith.addi %mul3A_230, %add3A_283 : i32
        %get3A_285 = arith.constant 0 : i32
        %get3A_286 = arith.index_cast %get3A_285 : i32 to index
        %get3A_287 = arith.index_cast %add3A_284 : i32 to index
        %get3A_288 = arith.constant 0 : index
        %get3A_289 = tpu.vector_load %arg9[%get3A_286, %get3A_287, %get3A_288] {strides = array<i32>} : memref<2x200x64xf32, #tpu.memory_space<vmem>>, vector<16xf32>,
        %add3A_290 = arith.constant 1 : i32
        %add3A_291 = arith.addi %mul3A_230, %add3A_290 : i32
        %get3A_292 = arith.index_cast %add3A_291 : i32 to index
        %get3A_293 = arith.constant 0 : index
        %get3A_294 = tpu.vector_load %arg11[%get3A_292, %get3A_293] {strides = array<i32>} : memref<200x64xf32, #tpu.memory_space<vmem>>, vector<16xf32>,
        %add3A_295 = arith.addf %get3A_289, %get3A_294 : vector<16xf32>
        %add3A_296 = arith.constant 1 : i32
        %add3A_297 = arith.addi %mul3A_230, %add3A_296 : i32
        %get3A_298 = arith.constant 0 : i32
        %get3A_299 = arith.index_cast %get3A_298 : i32 to index
        %get3A_300 = arith.index_cast %add3A_297 : i32 to index
        %get3A_301 = arith.constant 16 : index
        %get3A_302 = tpu.vector_load %arg9[%get3A_299, %get3A_300, %get3A_301] {strides = array<i32>} : memref<2x200x64xf32, #tpu.memory_space<vmem>>, vector<16xf32>,
        %add3A_303 = arith.constant 1 : i32
        %add3A_304 = arith.addi %mul3A_230, %add3A_303 : i32
        %get3A_305 = arith.index_cast %add3A_304 : i32 to index
        %get3A_306 = arith.constant 16 : index
        %get3A_307 = tpu.vector_load %arg11[%get3A_305, %get3A_306] {strides = array<i32>} : memref<200x64xf32, #tpu.memory_space<vmem>>, vector<16xf32>,
        %add3A_308 = arith.addf %get3A_302, %get3A_307 : vector<16xf32>
        %add3A_309 = arith.constant 1 : i32
        %add3A_310 = arith.addi %mul3A_230, %add3A_309 : i32
        %get3A_311 = arith.constant 0 : i32
        %get3A_312 = arith.index_cast %get3A_311 : i32 to index
        %get3A_313 = arith.index_cast %add3A_310 : i32 to index
        %get3A_314 = arith.constant 32 : index
        %get3A_315 = tpu.vector_load %arg9[%get3A_312, %get3A_313, %get3A_314] {strides = array<i32>} : memref<2x200x64xf32, #tpu.memory_space<vmem>>, vector<16xf32>,
        %add3A_316 = arith.constant 1 : i32
        %add3A_317 = arith.addi %mul3A_230, %add3A_316 : i32
        %get3A_318 = arith.index_cast %add3A_317 : i32 to index
        %get3A_319 = arith.constant 32 : index
        %get3A_320 = tpu.vector_load %arg11[%get3A_318, %get3A_319] {strides = array<i32>} : memref<200x64xf32, #tpu.memory_space<vmem>>, vector<16xf32>,
        %add3A_321 = arith.addf %get3A_315, %get3A_320 : vector<16xf32>
        %add3A_322 = arith.constant 1 : i32
        %add3A_323 = arith.addi %mul3A_230, %add3A_322 : i32
        %get3A_324 = arith.constant 0 : i32
        %get3A_325 = arith.index_cast %get3A_324 : i32 to index
        %get3A_326 = arith.index_cast %add3A_323 : i32 to index
        %get3A_327 = arith.constant 48 : index
        %get3A_328 = tpu.vector_load %arg9[%get3A_325, %get3A_326, %get3A_327] {strides = array<i32>} : memref<2x200x64xf32, #tpu.memory_space<vmem>>, vector<16xf32>,
        %add3A_329 = arith.constant 1 : i32
        %add3A_330 = arith.addi %mul3A_230, %add3A_329 : i32
        %get3A_331 = arith.index_cast %add3A_330 : i32 to index
        %get3A_332 = arith.constant 48 : index
        %get3A_333 = tpu.vector_load %arg11[%get3A_331, %get3A_332] {strides = array<i32>} : memref<200x64xf32, #tpu.memory_space<vmem>>, vector<16xf32>,
        %add3A_334 = arith.addf %get3A_328, %get3A_333 : vector<16xf32>
        %add3A_335 = arith.constant 2 : i32
        %add3A_336 = arith.addi %mul3A_230, %add3A_335 : i32
        %get3A_337 = arith.constant 0 : i32
        %get3A_338 = arith.index_cast %get3A_337 : i32 to index
        %get3A_339 = arith.index_cast %add3A_336 : i32 to index
        %get3A_340 = arith.constant 0 : index
        %get3A_341 = tpu.vector_load %arg9[%get3A_338, %get3A_339, %get3A_340] {strides = array<i32>} : memref<2x200x64xf32, #tpu.memory_space<vmem>>, vector<16xf32>,
        %add3A_342 = arith.constant 2 : i32
        %add3A_343 = arith.addi %mul3A_230, %add3A_342 : i32
        %get3A_344 = arith.index_cast %add3A_343 : i32 to index
        %get3A_345 = arith.constant 0 : index
        %get3A_346 = tpu.vector_load %arg11[%get3A_344, %get3A_345] {strides = array<i32>} : memref<200x64xf32, #tpu.memory_space<vmem>>, vector<16xf32>,
        %add3A_347 = arith.addf %get3A_341, %get3A_346 : vector<16xf32>
        %add3A_348 = arith.constant 2 : i32
        %add3A_349 = arith.addi %mul3A_230, %add3A_348 : i32
        %get3A_350 = arith.constant 0 : i32
        %get3A_351 = arith.index_cast %get3A_350 : i32 to index
        %get3A_352 = arith.index_cast %add3A_349 : i32 to index
        %get3A_353 = arith.constant 16 : index
        %get3A_354 = tpu.vector_load %arg9[%get3A_351, %get3A_352, %get3A_353] {strides = array<i32>} : memref<2x200x64xf32, #tpu.memory_space<vmem>>, vector<16xf32>,
        %add3A_355 = arith.constant 2 : i32
        %add3A_356 = arith.addi %mul3A_230, %add3A_355 : i32
        %get3A_357 = arith.index_cast %add3A_356 : i32 to index
        %get3A_358 = arith.constant 16 : index
        %get3A_359 = tpu.vector_load %arg11[%get3A_357, %get3A_358] {strides = array<i32>} : memref<200x64xf32, #tpu.memory_space<vmem>>, vector<16xf32>,
        %add3A_360 = arith.addf %get3A_354, %get3A_359 : vector<16xf32>
        %add3A_361 = arith.constant 2 : i32
        %add3A_362 = arith.addi %mul3A_230, %add3A_361 : i32
        %get3A_363 = arith.constant 0 : i32
        %get3A_364 = arith.index_cast %get3A_363 : i32 to index
        %get3A_365 = arith.index_cast %add3A_362 : i32 to index
        %get3A_366 = arith.constant 32 : index
        %get3A_367 = tpu.vector_load %arg9[%get3A_364, %get3A_365, %get3A_366] {strides = array<i32>} : memref<2x200x64xf32, #tpu.memory_space<vmem>>, vector<16xf32>,
        %add3A_368 = arith.constant 2 : i32
        %add3A_369 = arith.addi %mul3A_230, %add3A_368 : i32
        %get3A_370 = arith.index_cast %add3A_369 : i32 to index
        %get3A_371 = arith.constant 32 : index
        %get3A_372 = tpu.vector_load %arg11[%get3A_370, %get3A_371] {strides = array<i32>} : memref<200x64xf32, #tpu.memory_space<vmem>>, vector<16xf32>,
        %add3A_373 = arith.addf %get3A_367, %get3A_372 : vector<16xf32>
        %add3A_374 = arith.constant 2 : i32
        %add3A_375 = arith.addi %mul3A_230, %add3A_374 : i32
        %get3A_376 = arith.constant 0 : i32
        %get3A_377 = arith.index_cast %get3A_376 : i32 to index
        %get3A_378 = arith.index_cast %add3A_375 : i32 to index
        %get3A_379 = arith.constant 48 : index
        %get3A_380 = tpu.vector_load %arg9[%get3A_377, %get3A_378, %get3A_379] {strides = array<i32>} : memref<2x200x64xf32, #tpu.memory_space<vmem>>, vector<16xf32>,
        %add3A_381 = arith.constant 2 : i32
        %add3A_382 = arith.addi %mul3A_230, %add3A_381 : i32
        %get3A_383 = arith.index_cast %add3A_382 : i32 to index
        %get3A_384 = arith.constant 48 : index
        %get3A_385 = tpu.vector_load %arg11[%get3A_383, %get3A_384] {strides = array<i32>} : memref<200x64xf32, #tpu.memory_space<vmem>>, vector<16xf32>,
        %add3A_386 = arith.addf %get3A_380, %get3A_385 : vector<16xf32>
        %add3A_387 = arith.constant 3 : i32
        %add3A_388 = arith.addi %mul3A_230, %add3A_387 : i32
        %get3A_389 = arith.constant 0 : i32
        %get3A_390 = arith.index_cast %get3A_389 : i32 to index
        %get3A_391 = arith.index_cast %add3A_388 : i32 to index
        %get3A_392 = arith.constant 0 : index
        %get3A_393 = tpu.vector_load %arg9[%get3A_390, %get3A_391, %get3A_392] {strides = array<i32>} : memref<2x200x64xf32, #tpu.memory_space<vmem>>, vector<16xf32>,
        %add3A_394 = arith.constant 3 : i32
        %add3A_395 = arith.addi %mul3A_230, %add3A_394 : i32
        %get3A_396 = arith.index_cast %add3A_395 : i32 to index
        %get3A_397 = arith.constant 0 : index
        %get3A_398 = tpu.vector_load %arg11[%get3A_396, %get3A_397] {strides = array<i32>} : memref<200x64xf32, #tpu.memory_space<vmem>>, vector<16xf32>,
        %add3A_399 = arith.addf %get3A_393, %get3A_398 : vector<16xf32>
        %add3A_400 = arith.constant 3 : i32
        %add3A_401 = arith.addi %mul3A_230, %add3A_400 : i32
        %get3A_402 = arith.constant 0 : i32
        %get3A_403 = arith.index_cast %get3A_402 : i32 to index
        %get3A_404 = arith.index_cast %add3A_401 : i32 to index
        %get3A_405 = arith.constant 16 : index
        %get3A_406 = tpu.vector_load %arg9[%get3A_403, %get3A_404, %get3A_405] {strides = array<i32>} : memref<2x200x64xf32, #tpu.memory_space<vmem>>, vector<16xf32>,
        %add3A_407 = arith.constant 3 : i32
        %add3A_408 = arith.addi %mul3A_230, %add3A_407 : i32
        %get3A_409 = arith.index_cast %add3A_408 : i32 to index
        %get3A_410 = arith.constant 16 : index
        %get3A_411 = tpu.vector_load %arg11[%get3A_409, %get3A_410] {strides = array<i32>} : memref<200x64xf32, #tpu.memory_space<vmem>>, vector<16xf32>,
        %add3A_412 = arith.addf %get3A_406, %get3A_411 : vector<16xf32>
        %add3A_413 = arith.constant 3 : i32
        %add3A_414 = arith.addi %mul3A_230, %add3A_413 : i32
        %get3A_415 = arith.constant 0 : i32
        %get3A_416 = arith.index_cast %get3A_415 : i32 to index
        %get3A_417 = arith.index_cast %add3A_414 : i32 to index
        %get3A_418 = arith.constant 32 : index
        %get3A_419 = tpu.vector_load %arg9[%get3A_416, %get3A_417, %get3A_418] {strides = array<i32>} : memref<2x200x64xf32, #tpu.memory_space<vmem>>, vector<16xf32>,
        %add3A_420 = arith.constant 3 : i32
        %add3A_421 = arith.addi %mul3A_230, %add3A_420 : i32
        %get3A_422 = arith.index_cast %add3A_421 : i32 to index
        %get3A_423 = arith.constant 32 : index
        %get3A_424 = tpu.vector_load %arg11[%get3A_422, %get3A_423] {strides = array<i32>} : memref<200x64xf32, #tpu.memory_space<vmem>>, vector<16xf32>,
        %add3A_425 = arith.addf %get3A_419, %get3A_424 : vector<16xf32>
        %add3A_426 = arith.constant 3 : i32
        %add3A_427 = arith.addi %mul3A_230, %add3A_426 : i32
        %get3A_428 = arith.constant 0 : i32
        %get3A_429 = arith.index_cast %get3A_428 : i32 to index
        %get3A_430 = arith.index_cast %add3A_427 : i32 to index
        %get3A_431 = arith.constant 48 : index
        %get3A_432 = tpu.vector_load %arg9[%get3A_429, %get3A_430, %get3A_431] {strides = array<i32>} : memref<2x200x64xf32, #tpu.memory_space<vmem>>, vector<16xf32>,
        %add3A_433 = arith.constant 3 : i32
        %add3A_434 = arith.addi %mul3A_230, %add3A_433 : i32
        %get3A_435 = arith.index_cast %add3A_434 : i32 to index
        %get3A_436 = arith.constant 48 : index
        %get3A_437 = tpu.vector_load %arg11[%get3A_435, %get3A_436] {strides = array<i32>} : memref<200x64xf32, #tpu.memory_space<vmem>>, vector<16xf32>,
        %add3A_438 = arith.addf %get3A_432, %get3A_437 : vector<16xf32>
        %add3A_439 = arith.addf %add3A_243, %add3A_256 : vector<16xf32>
        %add3A_440 = arith.addf %add3A_269, %add3A_282 : vector<16xf32>
        %add3A_441 = arith.addf %add3A_439, %add3A_440 : vector<16xf32>
        %add3A_442 = arith.addf %add3A_295, %add3A_308 : vector<16xf32>
        %add3A_443 = arith.addf %add3A_321, %add3A_334 : vector<16xf32>
        %add3A_444 = arith.addf %add3A_442, %add3A_443 : vector<16xf32>
        %add3A_445 = arith.addf %add3A_347, %add3A_360 : vector<16xf32>
        %add3A_446 = arith.addf %add3A_373, %add3A_386 : vector<16xf32>
        %add3A_447 = arith.addf %add3A_445, %add3A_446 : vector<16xf32>
        %add3A_448 = arith.addf %add3A_399, %add3A_412 : vector<16xf32>
        %add3A_449 = arith.addf %add3A_425, %add3A_438 : vector<16xf32>
        %add3A_450 = arith.addf %add3A_448, %add3A_449 : vector<16xf32>
        %mul3A_451 = arith.mulf %add3A_243, %add3A_243 : vector<16xf32>
        %mul3A_452 = arith.mulf %add3A_256, %add3A_256 : vector<16xf32>
        %add3A_453 = arith.addf %mul3A_451, %mul3A_452 : vector<16xf32>
        %mul3A_454 = arith.mulf %add3A_269, %add3A_269 : vector<16xf32>
        %mul3A_455 = arith.mulf %add3A_282, %add3A_282 : vector<16xf32>
        %add3A_456 = arith.addf %mul3A_454, %mul3A_455 : vector<16xf32>
        %add3A_457 = arith.addf %add3A_453, %add3A_456 : vector<16xf32>
        %mul3A_458 = arith.mulf %add3A_295, %add3A_295 : vector<16xf32>
        %mul3A_459 = arith.mulf %add3A_308, %add3A_308 : vector<16xf32>
        %add3A_460 = arith.addf %mul3A_458, %mul3A_459 : vector<16xf32>
        %mul3A_461 = arith.mulf %add3A_321, %add3A_321 : vector<16xf32>
        %mul3A_462 = arith.mulf %add3A_334, %add3A_334 : vector<16xf32>
        %add3A_463 = arith.addf %mul3A_461, %mul3A_462 : vector<16xf32>
        %add3A_464 = arith.addf %add3A_460, %add3A_463 : vector<16xf32>
        %mul3A_465 = arith.mulf %add3A_347, %add3A_347 : vector<16xf32>
        %mul3A_466 = arith.mulf %add3A_360, %add3A_360 : vector<16xf32>
        %add3A_467 = arith.addf %mul3A_465, %mul3A_466 : vector<16xf32>
        %mul3A_468 = arith.mulf %add3A_373, %add3A_373 : vector<16xf32>
        %mul3A_469 = arith.mulf %add3A_386, %add3A_386 : vector<16xf32>
        %add3A_470 = arith.addf %mul3A_468, %mul3A_469 : vector<16xf32>
        %add3A_471 = arith.addf %add3A_467, %add3A_470 : vector<16xf32>
        %mul3A_472 = arith.mulf %add3A_399, %add3A_399 : vector<16xf32>
        %mul3A_473 = arith.mulf %add3A_412, %add3A_412 : vector<16xf32>
        %add3A_474 = arith.addf %mul3A_472, %mul3A_473 : vector<16xf32>
        %mul3A_475 = arith.mulf %add3A_425, %add3A_425 : vector<16xf32>
        %mul3A_476 = arith.mulf %add3A_438, %add3A_438 : vector<16xf32>
        %add3A_477 = arith.addf %mul3A_475, %mul3A_476 : vector<16xf32>
        %add3A_478 = arith.addf %add3A_474, %add3A_477 : vector<16xf32>
        %reduce_sum3A = arith.constant true
        %reduce_sum3A_479 = vector.broadcast %reduce_sum3A : i1 to vector<16xi1>
        %reduce_sum3A_480 = tpu.scan <sum>, %add3A_441 masked %reduce_sum3A_479 : vector<16xf32>, vector<16xi1> -> vector<16xf32>
        %reduce_sum3A_481 = vector.extract %reduce_sum3A_480[15] : f32 from vector<16xf32>
        %broadcast_in_dim3A = vector.broadcast %reduce_sum3A_481 : f32 to vector<16xf32>
        %mul3A_482 = arith.constant 1.562500e-02 : f32
        %mul3A_483 = vector.broadcast %mul3A_482 : f32 to vector<16xf32>
        %mul3A_484 = arith.mulf %broadcast_in_dim3A, %mul3A_483 : vector<16xf32>
        %reduce_sum3A_485 = arith.constant true
        %reduce_sum3A_486 = vector.broadcast %reduce_sum3A_485 : i1 to vector<16xi1>
        %reduce_sum3A_487 = tpu.scan <sum>, %add3A_444 masked %reduce_sum3A_486 : vector<16xf32>, vector<16xi1> -> vector<16xf32>
        %reduce_sum3A_488 = vector.extract %reduce_sum3A_487[15] : f32 from vector<16xf32>
        %broadcast_in_dim3A_489 = vector.broadcast %reduce_sum3A_488 : f32 to vector<16xf32>
        %mul3A_490 = arith.constant 1.562500e-02 : f32
        %mul3A_491 = vector.broadcast %mul3A_490 : f32 to vector<16xf32>
        %mul3A_492 = arith.mulf %broadcast_in_dim3A_489, %mul3A_491 : vector<16xf32>
        %reduce_sum3A_493 = arith.constant true
        %reduce_sum3A_494 = vector.broadcast %reduce_sum3A_493 : i1 to vector<16xi1>
        %reduce_sum3A_495 = tpu.scan <sum>, %add3A_447 masked %reduce_sum3A_494 : vector<16xf32>, vector<16xi1> -> vector<16xf32>
        %reduce_sum3A_496 = vector.extract %reduce_sum3A_495[15] : f32 from vector<16xf32>
        %broadcast_in_dim3A_497 = vector.broadcast %reduce_sum3A_496 : f32 to vector<16xf32>
        %mul3A_498 = arith.constant 1.562500e-02 : f32
        %mul3A_499 = vector.broadcast %mul3A_498 : f32 to vector<16xf32>
        %mul3A_500 = arith.mulf %broadcast_in_dim3A_497, %mul3A_499 : vector<16xf32>
        %reduce_sum3A_501 = arith.constant true
        %reduce_sum3A_502 = vector.broadcast %reduce_sum3A_501 : i1 to vector<16xi1>
        %reduce_sum3A_503 = tpu.scan <sum>, %add3A_450 masked %reduce_sum3A_502 : vector<16xf32>, vector<16xi1> -> vector<16xf32>
        %reduce_sum3A_504 = vector.extract %reduce_sum3A_503[15] : f32 from vector<16xf32>
        %broadcast_in_dim3A_505 = vector.broadcast %reduce_sum3A_504 : f32 to vector<16xf32>
        %mul3A_506 = arith.constant 1.562500e-02 : f32
        %mul3A_507 = vector.broadcast %mul3A_506 : f32 to vector<16xf32>
        %mul3A_508 = arith.mulf %broadcast_in_dim3A_505, %mul3A_507 : vector<16xf32>
        %reduce_sum3A_509 = arith.constant true
        %reduce_sum3A_510 = vector.broadcast %reduce_sum3A_509 : i1 to vector<16xi1>
        %reduce_sum3A_511 = tpu.scan <sum>, %add3A_457 masked %reduce_sum3A_510 : vector<16xf32>, vector<16xi1> -> vector<16xf32>
        %reduce_sum3A_512 = vector.extract %reduce_sum3A_511[15] : f32 from vector<16xf32>
        %broadcast_in_dim3A_513 = vector.broadcast %reduce_sum3A_512 : f32 to vector<16xf32>
        %mul3A_514 = arith.constant 1.562500e-02 : f32
        %mul3A_515 = vector.broadcast %mul3A_514 : f32 to vector<16xf32>
        %mul3A_516 = arith.mulf %broadcast_in_dim3A_513, %mul3A_515 : vector<16xf32>
        %reduce_sum3A_517 = arith.constant true
        %reduce_sum3A_518 = vector.broadcast %reduce_sum3A_517 : i1 to vector<16xi1>
        %reduce_sum3A_519 = tpu.scan <sum>, %add3A_464 masked %reduce_sum3A_518 : vector<16xf32>, vector<16xi1> -> vector<16xf32>
        %reduce_sum3A_520 = vector.extract %reduce_sum3A_519[15] : f32 from vector<16xf32>
        %broadcast_in_dim3A_521 = vector.broadcast %reduce_sum3A_520 : f32 to vector<16xf32>
        %mul3A_522 = arith.constant 1.562500e-02 : f32
        %mul3A_523 = vector.broadcast %mul3A_522 : f32 to vector<16xf32>
        %mul3A_524 = arith.mulf %broadcast_in_dim3A_521, %mul3A_523 : vector<16xf32>
        %reduce_sum3A_525 = arith.constant true
        %reduce_sum3A_526 = vector.broadcast %reduce_sum3A_525 : i1 to vector<16xi1>
        %reduce_sum3A_527 = tpu.scan <sum>, %add3A_471 masked %reduce_sum3A_526 : vector<16xf32>, vector<16xi1> -> vector<16xf32>
        %reduce_sum3A_528 = vector.extract %reduce_sum3A_527[15] : f32 from vector<16xf32>
        %broadcast_in_dim3A_529 = vector.broadcast %reduce_sum3A_528 : f32 to vector<16xf32>
        %mul3A_530 = arith.constant 1.562500e-02 : f32
        %mul3A_531 = vector.broadcast %mul3A_530 : f32 to vector<16xf32>
        %mul3A_532 = arith.mulf %broadcast_in_dim3A_529, %mul3A_531 : vector<16xf32>
        %reduce_sum3A_533 = arith.constant true
        %reduce_sum3A_534 = vector.broadcast %reduce_sum3A_533 : i1 to vector<16xi1>
        %reduce_sum3A_535 = tpu.scan <sum>, %add3A_478 masked %reduce_sum3A_534 : vector<16xf32>, vector<16xi1> -> vector<16xf32>
        %reduce_sum3A_536 = vector.extract %reduce_sum3A_535[15] : f32 from vector<16xf32>
        %broadcast_in_dim3A_537 = vector.broadcast %reduce_sum3A_536 : f32 to vector<16xf32>
        %mul3A_538 = arith.constant 1.562500e-02 : f32
        %mul3A_539 = vector.broadcast %mul3A_538 : f32 to vector<16xf32>
        %mul3A_540 = arith.mulf %broadcast_in_dim3A_537, %mul3A_539 : vector<16xf32>
        %mul3A_541 = arith.mulf %mul3A_484, %mul3A_484 : vector<16xf32>
        %sub3A = arith.subf %mul3A_516, %mul3A_541 : vector<16xf32>
        %mul3A_542 = arith.mulf %mul3A_492, %mul3A_492 : vector<16xf32>
        %sub3A_543 = arith.subf %mul3A_524, %mul3A_542 : vector<16xf32>
        %mul3A_544 = arith.mulf %mul3A_500, %mul3A_500 : vector<16xf32>
        %sub3A_545 = arith.subf %mul3A_532, %mul3A_544 : vector<16xf32>
        %mul3A_546 = arith.mulf %mul3A_508, %mul3A_508 : vector<16xf32>
        %sub3A_547 = arith.subf %mul3A_540, %mul3A_546 : vector<16xf32>
        %add3A_548 = arith.constant 9.99999974E-6 : f32
        %add3A_549 = vector.broadcast %add3A_548 : f32 to vector<16xf32>
        %add3A_550 = arith.addf %sub3A, %add3A_549 : vector<16xf32>
        %rsqrt3A = math.rsqrt %add3A_550 : vector<16xf32>
        %add3A_551 = arith.constant 9.99999974E-6 : f32
        %add3A_552 = vector.broadcast %add3A_551 : f32 to vector<16xf32>
        %add3A_553 = arith.addf %sub3A_543, %add3A_552 : vector<16xf32>
        %rsqrt3A_554 = math.rsqrt %add3A_553 : vector<16xf32>
        %add3A_555 = arith.constant 9.99999974E-6 : f32
        %add3A_556 = vector.broadcast %add3A_555 : f32 to vector<16xf32>
        %add3A_557 = arith.addf %sub3A_545, %add3A_556 : vector<16xf32>
        %rsqrt3A_558 = math.rsqrt %add3A_557 : vector<16xf32>
        %add3A_559 = arith.constant 9.99999974E-6 : f32
        %add3A_560 = vector.broadcast %add3A_559 : f32 to vector<16xf32>
        %add3A_561 = arith.addf %sub3A_547, %add3A_560 : vector<16xf32>
        %rsqrt3A_562 = math.rsqrt %add3A_561 : vector<16xf32>
        %mul3A_563 = arith.mulf %mul3A_484, %rsqrt3A : vector<16xf32>
        %mul3A_564 = arith.mulf %mul3A_492, %rsqrt3A_554 : vector<16xf32>
        %mul3A_565 = arith.mulf %mul3A_500, %rsqrt3A_558 : vector<16xf32>
        %mul3A_566 = arith.mulf %mul3A_508, %rsqrt3A_562 : vector<16xf32>
        %mul3A_567 = arith.mulf %add3A_243, %rsqrt3A : vector<16xf32>
        %sub3A_568 = arith.subf %mul3A_567, %mul3A_563 : vector<16xf32>
        %mul3A_569 = arith.mulf %sub3A_568, %get3A_5 : vector<16xf32>
        %add3A_570 = arith.addf %mul3A_569, %get3A_13 : vector<16xf32>
        %add3A_571 = arith.constant 0 : i32
        %add3A_572 = arith.addi %mul3A_230, %add3A_571 : i32
        %swap3A = arith.constant 0 : i32
        %swap3A_573 = arith.index_cast %swap3A : i32 to index
        %swap3A_574 = arith.index_cast %add3A_572 : i32 to index
        %swap3A_575 = arith.constant 0 : index
        %swap3A_576 = tpu.vector_load %arg10[%swap3A_573, %swap3A_574, %swap3A_575] {strides = array<i32>} : memref<2x200x64xf32, #tpu.memory_space<vmem>>, vector<16xf32>,
        tpu.vector_store %arg10[%swap3A_573, %swap3A_574, %swap3A_575], %add3A_570 {strides = array<i32>} : memref<2x200x64xf32, #tpu.memory_space<vmem>>, vector<16xf32>,
        %mul3A_577 = arith.mulf %add3A_256, %rsqrt3A : vector<16xf32>
        %sub3A_578 = arith.subf %mul3A_577, %mul3A_563 : vector<16xf32>
        %mul3A_579 = arith.mulf %sub3A_578, %get3A_7 : vector<16xf32>
        %add3A_580 = arith.addf %mul3A_579, %get3A_15 : vector<16xf32>
        %add3A_581 = arith.constant 0 : i32
        %add3A_582 = arith.addi %mul3A_230, %add3A_581 : i32
        %swap3A_583 = arith.constant 0 : i32
        %swap3A_584 = arith.index_cast %swap3A_583 : i32 to index
        %swap3A_585 = arith.index_cast %add3A_582 : i32 to index
        %swap3A_586 = arith.constant 16 : index
        %swap3A_587 = tpu.vector_load %arg10[%swap3A_584, %swap3A_585, %swap3A_586] {strides = array<i32>} : memref<2x200x64xf32, #tpu.memory_space<vmem>>, vector<16xf32>,
        tpu.vector_store %arg10[%swap3A_584, %swap3A_585, %swap3A_586], %add3A_580 {strides = array<i32>} : memref<2x200x64xf32, #tpu.memory_space<vmem>>, vector<16xf32>,
        %mul3A_588 = arith.mulf %add3A_269, %rsqrt3A : vector<16xf32>
        %sub3A_589 = arith.subf %mul3A_588, %mul3A_563 : vector<16xf32>
        %mul3A_590 = arith.mulf %sub3A_589, %get3A_9 : vector<16xf32>
        %add3A_591 = arith.addf %mul3A_590, %get3A_17 : vector<16xf32>
        %add3A_592 = arith.constant 0 : i32
        %add3A_593 = arith.addi %mul3A_230, %add3A_592 : i32
        %swap3A_594 = arith.constant 0 : i32
        %swap3A_595 = arith.index_cast %swap3A_594 : i32 to index
        %swap3A_596 = arith.index_cast %add3A_593 : i32 to index
        %swap3A_597 = arith.constant 32 : index
        %swap3A_598 = tpu.vector_load %arg10[%swap3A_595, %swap3A_596, %swap3A_597] {strides = array<i32>} : memref<2x200x64xf32, #tpu.memory_space<vmem>>, vector<16xf32>,
        tpu.vector_store %arg10[%swap3A_595, %swap3A_596, %swap3A_597], %add3A_591 {strides = array<i32>} : memref<2x200x64xf32, #tpu.memory_space<vmem>>, vector<16xf32>,
        %mul3A_599 = arith.mulf %add3A_282, %rsqrt3A : vector<16xf32>
        %sub3A_600 = arith.subf %mul3A_599, %mul3A_563 : vector<16xf32>
        %mul3A_601 = arith.mulf %sub3A_600, %get3A_11 : vector<16xf32>
        %add3A_602 = arith.addf %mul3A_601, %get3A_19 : vector<16xf32>
        %add3A_603 = arith.constant 0 : i32
        %add3A_604 = arith.addi %mul3A_230, %add3A_603 : i32
        %swap3A_605 = arith.constant 0 : i32
        %swap3A_606 = arith.index_cast %swap3A_605 : i32 to index
        %swap3A_607 = arith.index_cast %add3A_604 : i32 to index
        %swap3A_608 = arith.constant 48 : index
        %swap3A_609 = tpu.vector_load %arg10[%swap3A_606, %swap3A_607, %swap3A_608] {strides = array<i32>} : memref<2x200x64xf32, #tpu.memory_space<vmem>>, vector<16xf32>,
        tpu.vector_store %arg10[%swap3A_606, %swap3A_607, %swap3A_608], %add3A_602 {strides = array<i32>} : memref<2x200x64xf32, #tpu.memory_space<vmem>>, vector<16xf32>,
        %mul3A_610 = arith.mulf %add3A_295, %rsqrt3A_554 : vector<16xf32>
        %sub3A_611 = arith.subf %mul3A_610, %mul3A_564 : vector<16xf32>
        %mul3A_612 = arith.mulf %sub3A_611, %get3A_5 : vector<16xf32>
        %add3A_613 = arith.addf %mul3A_612, %get3A_13 : vector<16xf32>
        %add3A_614 = arith.constant 1 : i32
        %add3A_615 = arith.addi %mul3A_230, %add3A_614 : i32
        %swap3A_616 = arith.constant 0 : i32
        %swap3A_617 = arith.index_cast %swap3A_616 : i32 to index
        %swap3A_618 = arith.index_cast %add3A_615 : i32 to index
        %swap3A_619 = arith.constant 0 : index
        %swap3A_620 = tpu.vector_load %arg10[%swap3A_617, %swap3A_618, %swap3A_619] {strides = array<i32>} : memref<2x200x64xf32, #tpu.memory_space<vmem>>, vector<16xf32>,
        tpu.vector_store %arg10[%swap3A_617, %swap3A_618, %swap3A_619], %add3A_613 {strides = array<i32>} : memref<2x200x64xf32, #tpu.memory_space<vmem>>, vector<16xf32>,
        %mul3A_621 = arith.mulf %add3A_308, %rsqrt3A_554 : vector<16xf32>
        %sub3A_622 = arith.subf %mul3A_621, %mul3A_564 : vector<16xf32>
        %mul3A_623 = arith.mulf %sub3A_622, %get3A_7 : vector<16xf32>
        %add3A_624 = arith.addf %mul3A_623, %get3A_15 : vector<16xf32>
        %add3A_625 = arith.constant 1 : i32
        %add3A_626 = arith.addi %mul3A_230, %add3A_625 : i32
        %swap3A_627 = arith.constant 0 : i32
        %swap3A_628 = arith.index_cast %swap3A_627 : i32 to index
        %swap3A_629 = arith.index_cast %add3A_626 : i32 to index
        %swap3A_630 = arith.constant 16 : index
        %swap3A_631 = tpu.vector_load %arg10[%swap3A_628, %swap3A_629, %swap3A_630] {strides = array<i32>} : memref<2x200x64xf32, #tpu.memory_space<vmem>>, vector<16xf32>,
        tpu.vector_store %arg10[%swap3A_628, %swap3A_629, %swap3A_630], %add3A_624 {strides = array<i32>} : memref<2x200x64xf32, #tpu.memory_space<vmem>>, vector<16xf32>,
        %mul3A_632 = arith.mulf %add3A_321, %rsqrt3A_554 : vector<16xf32>
        %sub3A_633 = arith.subf %mul3A_632, %mul3A_564 : vector<16xf32>
        %mul3A_634 = arith.mulf %sub3A_633, %get3A_9 : vector<16xf32>
        %add3A_635 = arith.addf %mul3A_634, %get3A_17 : vector<16xf32>
        %add3A_636 = arith.constant 1 : i32
        %add3A_637 = arith.addi %mul3A_230, %add3A_636 : i32
        %swap3A_638 = arith.constant 0 : i32
        %swap3A_639 = arith.index_cast %swap3A_638 : i32 to index
        %swap3A_640 = arith.index_cast %add3A_637 : i32 to index
        %swap3A_641 = arith.constant 32 : index
        %swap3A_642 = tpu.vector_load %arg10[%swap3A_639, %swap3A_640, %swap3A_641] {strides = array<i32>} : memref<2x200x64xf32, #tpu.memory_space<vmem>>, vector<16xf32>,
        tpu.vector_store %arg10[%swap3A_639, %swap3A_640, %swap3A_641], %add3A_635 {strides = array<i32>} : memref<2x200x64xf32, #tpu.memory_space<vmem>>, vector<16xf32>,
        %mul3A_643 = arith.mulf %add3A_334, %rsqrt3A_554 : vector<16xf32>
        %sub3A_644 = arith.subf %mul3A_643, %mul3A_564 : vector<16xf32>
        %mul3A_645 = arith.mulf %sub3A_644, %get3A_11 : vector<16xf32>
        %add3A_646 = arith.addf %mul3A_645, %get3A_19 : vector<16xf32>
        %add3A_647 = arith.constant 1 : i32
        %add3A_648 = arith.addi %mul3A_230, %add3A_647 : i32
        %swap3A_649 = arith.constant 0 : i32
        %swap3A_650 = arith.index_cast %swap3A_649 : i32 to index
        %swap3A_651 = arith.index_cast %add3A_648 : i32 to index
        %swap3A_652 = arith.constant 48 : index
        %swap3A_653 = tpu.vector_load %arg10[%swap3A_650, %swap3A_651, %swap3A_652] {strides = array<i32>} : memref<2x200x64xf32, #tpu.memory_space<vmem>>, vector<16xf32>,
        tpu.vector_store %arg10[%swap3A_650, %swap3A_651, %swap3A_652], %add3A_646 {strides = array<i32>} : memref<2x200x64xf32, #tpu.memory_space<vmem>>, vector<16xf32>,
        %mul3A_654 = arith.mulf %add3A_347, %rsqrt3A_558 : vector<16xf32>
        %sub3A_655 = arith.subf %mul3A_654, %mul3A_565 : vector<16xf32>
        %mul3A_656 = arith.mulf %sub3A_655, %get3A_5 : vector<16xf32>
        %add3A_657 = arith.addf %mul3A_656, %get3A_13 : vector<16xf32>
        %add3A_658 = arith.constant 2 : i32
        %add3A_659 = arith.addi %mul3A_230, %add3A_658 : i32
        %swap3A_660 = arith.constant 0 : i32
        %swap3A_661 = arith.index_cast %swap3A_660 : i32 to index
        %swap3A_662 = arith.index_cast %add3A_659 : i32 to index
        %swap3A_663 = arith.constant 0 : index
        %swap3A_664 = tpu.vector_load %arg10[%swap3A_661, %swap3A_662, %swap3A_663] {strides = array<i32>} : memref<2x200x64xf32, #tpu.memory_space<vmem>>, vector<16xf32>,
        tpu.vector_store %arg10[%swap3A_661, %swap3A_662, %swap3A_663], %add3A_657 {strides = array<i32>} : memref<2x200x64xf32, #tpu.memory_space<vmem>>, vector<16xf32>,
        %mul3A_665 = arith.mulf %add3A_360, %rsqrt3A_558 : vector<16xf32>
        %sub3A_666 = arith.subf %mul3A_665, %mul3A_565 : vector<16xf32>
        %mul3A_667 = arith.mulf %sub3A_666, %get3A_7 : vector<16xf32>
        %add3A_668 = arith.addf %mul3A_667, %get3A_15 : vector<16xf32>
        %add3A_669 = arith.constant 2 : i32
        %add3A_670 = arith.addi %mul3A_230, %add3A_669 : i32
        %swap3A_671 = arith.constant 0 : i32
        %swap3A_672 = arith.index_cast %swap3A_671 : i32 to index
        %swap3A_673 = arith.index_cast %add3A_670 : i32 to index
        %swap3A_674 = arith.constant 16 : index
        %swap3A_675 = tpu.vector_load %arg10[%swap3A_672, %swap3A_673, %swap3A_674] {strides = array<i32>} : memref<2x200x64xf32, #tpu.memory_space<vmem>>, vector<16xf32>,
        tpu.vector_store %arg10[%swap3A_672, %swap3A_673, %swap3A_674], %add3A_668 {strides = array<i32>} : memref<2x200x64xf32, #tpu.memory_space<vmem>>, vector<16xf32>,
        %mul3A_676 = arith.mulf %add3A_373, %rsqrt3A_558 : vector<16xf32>
        %sub3A_677 = arith.subf %mul3A_676, %mul3A_565 : vector<16xf32>
        %mul3A_678 = arith.mulf %sub3A_677, %get3A_9 : vector<16xf32>
        %add3A_679 = arith.addf %mul3A_678, %get3A_17 : vector<16xf32>
        %add3A_680 = arith.constant 2 : i32
        %add3A_681 = arith.addi %mul3A_230, %add3A_680 : i32
        %swap3A_682 = arith.constant 0 : i32
        %swap3A_683 = arith.index_cast %swap3A_682 : i32 to index
        %swap3A_684 = arith.index_cast %add3A_681 : i32 to index
        %swap3A_685 = arith.constant 32 : index
        %swap3A_686 = tpu.vector_load %arg10[%swap3A_683, %swap3A_684, %swap3A_685] {strides = array<i32>} : memref<2x200x64xf32, #tpu.memory_space<vmem>>, vector<16xf32>,
        tpu.vector_store %arg10[%swap3A_683, %swap3A_684, %swap3A_685], %add3A_679 {strides = array<i32>} : memref<2x200x64xf32, #tpu.memory_space<vmem>>, vector<16xf32>,
        %mul3A_687 = arith.mulf %add3A_386, %rsqrt3A_558 : vector<16xf32>
        %sub3A_688 = arith.subf %mul3A_687, %mul3A_565 : vector<16xf32>
        %mul3A_689 = arith.mulf %sub3A_688, %get3A_11 : vector<16xf32>
        %add3A_690 = arith.addf %mul3A_689, %get3A_19 : vector<16xf32>
        %add3A_691 = arith.constant 2 : i32
        %add3A_692 = arith.addi %mul3A_230, %add3A_691 : i32
        %swap3A_693 = arith.constant 0 : i32
        %swap3A_694 = arith.index_cast %swap3A_693 : i32 to index
        %swap3A_695 = arith.index_cast %add3A_692 : i32 to index
        %swap3A_696 = arith.constant 48 : index
        %swap3A_697 = tpu.vector_load %arg10[%swap3A_694, %swap3A_695, %swap3A_696] {strides = array<i32>} : memref<2x200x64xf32, #tpu.memory_space<vmem>>, vector<16xf32>,
        tpu.vector_store %arg10[%swap3A_694, %swap3A_695, %swap3A_696], %add3A_690 {strides = array<i32>} : memref<2x200x64xf32, #tpu.memory_space<vmem>>, vector<16xf32>,
        %mul3A_698 = arith.mulf %add3A_399, %rsqrt3A_562 : vector<16xf32>
        %sub3A_699 = arith.subf %mul3A_698, %mul3A_566 : vector<16xf32>
        %mul3A_700 = arith.mulf %sub3A_699, %get3A_5 : vector<16xf32>
        %add3A_701 = arith.addf %mul3A_700, %get3A_13 : vector<16xf32>
        %add3A_702 = arith.constant 3 : i32
        %add3A_703 = arith.addi %mul3A_230, %add3A_702 : i32
        %swap3A_704 = arith.constant 0 : i32
        %swap3A_705 = arith.index_cast %swap3A_704 : i32 to index
        %swap3A_706 = arith.index_cast %add3A_703 : i32 to index
        %swap3A_707 = arith.constant 0 : index
        %swap3A_708 = tpu.vector_load %arg10[%swap3A_705, %swap3A_706, %swap3A_707] {strides = array<i32>} : memref<2x200x64xf32, #tpu.memory_space<vmem>>, vector<16xf32>,
        tpu.vector_store %arg10[%swap3A_705, %swap3A_706, %swap3A_707], %add3A_701 {strides = array<i32>} : memref<2x200x64xf32, #tpu.memory_space<vmem>>, vector<16xf32>,
        %mul3A_709 = arith.mulf %add3A_412, %rsqrt3A_562 : vector<16xf32>
        %sub3A_710 = arith.subf %mul3A_709, %mul3A_566 : vector<16xf32>
        %mul3A_711 = arith.mulf %sub3A_710, %get3A_7 : vector<16xf32>
        %add3A_712 = arith.addf %mul3A_711, %get3A_15 : vector<16xf32>
        %add3A_713 = arith.constant 3 : i32
        %add3A_714 = arith.addi %mul3A_230, %add3A_713 : i32
        %swap3A_715 = arith.constant 0 : i32
        %swap3A_716 = arith.index_cast %swap3A_715 : i32 to index
        %swap3A_717 = arith.index_cast %add3A_714 : i32 to index
        %swap3A_718 = arith.constant 16 : index
        %swap3A_719 = tpu.vector_load %arg10[%swap3A_716, %swap3A_717, %swap3A_718] {strides = array<i32>} : memref<2x200x64xf32, #tpu.memory_space<vmem>>, vector<16xf32>,
        tpu.vector_store %arg10[%swap3A_716, %swap3A_717, %swap3A_718], %add3A_712 {strides = array<i32>} : memref<2x200x64xf32, #tpu.memory_space<vmem>>, vector<16xf32>,
        %mul3A_720 = arith.mulf %add3A_425, %rsqrt3A_562 : vector<16xf32>
        %sub3A_721 = arith.subf %mul3A_720, %mul3A_566 : vector<16xf32>
        %mul3A_722 = arith.mulf %sub3A_721, %get3A_9 : vector<16xf32>
        %add3A_723 = arith.addf %mul3A_722, %get3A_17 : vector<16xf32>
        %add3A_724 = arith.constant 3 : i32
        %add3A_725 = arith.addi %mul3A_230, %add3A_724 : i32
        %swap3A_726 = arith.constant 0 : i32
        %swap3A_727 = arith.index_cast %swap3A_726 : i32 to index
        %swap3A_728 = arith.index_cast %add3A_725 : i32 to index
        %swap3A_729 = arith.constant 32 : index
        %swap3A_730 = tpu.vector_load %arg10[%swap3A_727, %swap3A_728, %swap3A_729] {strides = array<i32>} : memref<2x200x64xf32, #tpu.memory_space<vmem>>, vector<16xf32>,
        tpu.vector_store %arg10[%swap3A_727, %swap3A_728, %swap3A_729], %add3A_723 {strides = array<i32>} : memref<2x200x64xf32, #tpu.memory_space<vmem>>, vector<16xf32>,
        %mul3A_731 = arith.mulf %add3A_438, %rsqrt3A_562 : vector<16xf32>
        %sub3A_732 = arith.subf %mul3A_731, %mul3A_566 : vector<16xf32>
        %mul3A_733 = arith.mulf %sub3A_732, %get3A_11 : vector<16xf32>
        %add3A_734 = arith.addf %mul3A_733, %get3A_19 : vector<16xf32>
        %add3A_735 = arith.constant 3 : i32
        %add3A_736 = arith.addi %mul3A_230, %add3A_735 : i32
        %swap3A_737 = arith.constant 0 : i32
        %swap3A_738 = arith.index_cast %swap3A_737 : i32 to index
        %swap3A_739 = arith.index_cast %add3A_736 : i32 to index
        %swap3A_740 = arith.constant 48 : index
        %swap3A_741 = tpu.vector_load %arg10[%swap3A_738, %swap3A_739, %swap3A_740] {strides = array<i32>} : memref<2x200x64xf32, #tpu.memory_space<vmem>>, vector<16xf32>,
        tpu.vector_store %arg10[%swap3A_738, %swap3A_739, %swap3A_740], %add3A_734 {strides = array<i32>} : memref<2x200x64xf32, #tpu.memory_space<vmem>>, vector<16xf32>,
      }
      %scan3A_140 = arith.constant 50 : i32
      %add3A_141 = arith.addi %mul3A_4, %add3A_109 : i32
      %dma_start3A_142 = arith.constant 0 : i32
      %dma_start3A_143 = arith.constant 0 : i32
      %dma_start3A_144 = arith.constant 0 : i32
      %dma_start3A_145 = tpu.memref_slice %arg10[%dma_start3A_142, %dma_start3A_143, %dma_start3A_144] : memref<2x200x64xf32, #tpu.memory_space<vmem>> -> memref<1x200x64xf32, #tpu.memory_space<vmem>>
      %dma_start3A_146 = tpu.memref_squeeze %dma_start3A_145 : memref<1x200x64xf32, #tpu.memory_space<vmem>> -> memref<200x64xf32, #tpu.memory_space<vmem>>
      %dma_start3A_147 = arith.constant 0 : i32
      %dma_start3A_148 = arith.constant 0 : i32
      %dma_start3A_149 = tpu.memref_slice %arg7[%add3A_141, %dma_start3A_147, %dma_start3A_148] : memref<1024x200x64xf32, #tpu.memory_space<hbm>> -> memref<1x200x64xf32, #tpu.memory_space<hbm>>
      %dma_start3A_150 = tpu.memref_squeeze %dma_start3A_149 : memref<1x200x64xf32, #tpu.memory_space<hbm>> -> memref<200x64xf32, #tpu.memory_space<hbm>>
      %dma_start3A_151 = arith.constant 0 : i32
      %dma_start3A_152 = arith.constant 0 : i32
      %dma_start3A_153 = tpu.memref_slice %arg7[%add3A_141, %dma_start3A_151, %dma_start3A_152] : memref<1024x200x64xf32, #tpu.memory_space<hbm>> -> memref<1x200x64xf32, #tpu.memory_space<hbm>>
      %dma_start3A_154 = tpu.memref_squeeze %dma_start3A_153 : memref<1x200x64xf32, #tpu.memory_space<hbm>> -> memref<200x64xf32, #tpu.memory_space<hbm>>
      %dma_start3A_155 = arith.constant 0 : i32
      %dma_start3A_156 = arith.constant 0 : i32
      %dma_start3A_157 = tpu.memref_slice %arg10[%dma_start3A_142, %dma_start3A_155, %dma_start3A_156] : memref<2x200x64xf32, #tpu.memory_space<vmem>> -> memref<1x200x64xf32, #tpu.memory_space<vmem>>
      %dma_start3A_158 = tpu.memref_squeeze %dma_start3A_157 : memref<1x200x64xf32, #tpu.memory_space<vmem>> -> memref<200x64xf32, #tpu.memory_space<vmem>>
      tpu.enqueue_dma source(%dma_start3A_158 : memref<200x64xf32, #tpu.memory_space<vmem>>) target(%dma_start3A_154 : memref<200x64xf32, #tpu.memory_space<hbm>>) target_semaphore(%arg16 : memref<!tpu.dma_semaphore, #tpu.memory_space<semaphore_mem>>)
      %add3A_159 = arith.constant 2 : i32
      %add3A_160 = arith.addi %add3A_109, %add3A_159 : i32
      %lt3A = arith.constant 32 : i32
      %lt3A_161 = arith.cmpi slt, %add3A_160, %lt3A : i32
      %convert_element_type3A_162 = arith.extui %lt3A_161 : i1 to i32
      %cond3A_163 = arith.constant 0 : i32
      %cond3A_164 = arith.cmpi ne, %convert_element_type3A_162, %cond3A_163 : i32
      scf.if %cond3A_164 {
        %add3A_228 = arith.constant 2 : i32
        %add3A_229 = arith.addi %add3A_109, %add3A_228 : i32
        %mul3A_230 = arith.constant 200 : i32
        %mul3A_231 = arith.muli %add3A_229, %mul3A_230 : i32
        %multiple_of3A_232 = tpu.assume_multiple %mul3A_231, 8 : i32
        %dma_start3A_233 = arith.constant 0 : i32
        %dma_start3A_234 = arith.constant 0 : i32
        %dma_start3A_235 = arith.constant 0 : i32
        %dma_start3A_236 = tpu.memref_slice %arg9[%dma_start3A_233, %dma_start3A_234, %dma_start3A_235] : memref<2x200x64xf32, #tpu.memory_space<vmem>> -> memref<1x128x64xf32, #tpu.memory_space<vmem>>
        %dma_start3A_237 = tpu.memref_squeeze %dma_start3A_236 : memref<1x128x64xf32, #tpu.memory_space<vmem>> -> memref<128x64xf32, #tpu.memory_space<vmem>>
        %dma_start3A_238 = tpu.memref_slice %arg8[%multiple_of3A_232] : memref<6400xi32, #tpu.memory_space<vmem>> -> memref<128xi32, #tpu.memory_space<vmem>>
        %dma_start3A_239 = arith.constant 0 : i32
        %dma_start3A_240 = arith.constant 0 : i32
        %dma_start3A_241 = tpu.memref_slice %arg3[%dma_start3A_239, %dma_start3A_240] : memref<100000x64xf32, #tpu.memory_space<hbm>> -> memref<100000x64xf32, #tpu.memory_space<hbm>>
        tpu.enqueue_indirect_dma source(%dma_start3A_241 : memref<100000x64xf32, #tpu.memory_space<hbm>>) target(%dma_start3A_237 : memref<128x64xf32, #tpu.memory_space<vmem>>) offsets(%dma_start3A_238 : memref<128xi32, #tpu.memory_space<vmem>>) semaphore(%arg14 : memref<!tpu.dma_semaphore, #tpu.memory_space<semaphore_mem>>)
        %add3A_242 = arith.constant 128 : i32
        %add3A_243 = arith.addi %multiple_of3A_232, %add3A_242 : i32
        %dma_start3A_244 = arith.constant 0 : i32
        %dma_start3A_245 = arith.constant 128 : i32
        %dma_start3A_246 = arith.constant 0 : i32
        %dma_start3A_247 = tpu.memref_slice %arg9[%dma_start3A_244, %dma_start3A_245, %dma_start3A_246] : memref<2x200x64xf32, #tpu.memory_space<vmem>> -> memref<1x72x64xf32, #tpu.memory_space<vmem>>
        %dma_start3A_248 = tpu.memref_squeeze %dma_start3A_247 : memref<1x72x64xf32, #tpu.memory_space<vmem>> -> memref<72x64xf32, #tpu.memory_space<vmem>>
        %dma_start3A_249 = tpu.memref_slice %arg8[%add3A_243] : memref<6400xi32, #tpu.memory_space<vmem>> -> memref<72xi32, #tpu.memory_space<vmem>>
        %dma_start3A_250 = arith.constant 0 : i32
        %dma_start3A_251 = arith.constant 0 : i32
        %dma_start3A_252 = tpu.memref_slice %arg3[%dma_start3A_250, %dma_start3A_251] : memref<100000x64xf32, #tpu.memory_space<hbm>> -> memref<100000x64xf32, #tpu.memory_space<hbm>>
        tpu.enqueue_indirect_dma source(%dma_start3A_252 : memref<100000x64xf32, #tpu.memory_space<hbm>>) target(%dma_start3A_248 : memref<72x64xf32, #tpu.memory_space<vmem>>) offsets(%dma_start3A_249 : memref<72xi32, #tpu.memory_space<vmem>>) semaphore(%arg14 : memref<!tpu.dma_semaphore, #tpu.memory_space<semaphore_mem>>)
      } else {
      }
      %mul3A_165 = arith.constant 2 : i32
      %mul3A_166 = arith.muli %scan3A_105, %mul3A_165 : i32
      %add3A_167 = arith.constant 1 : i32
      %add3A_168 = arith.addi %mul3A_166, %add3A_167 : i32
      %mul3A_169 = arith.constant 200 : i32
      %mul3A_170 = arith.muli %add3A_168, %mul3A_169 : i32
      %multiple_of3A_171 = tpu.assume_multiple %mul3A_170, 8 : i32
      %add3A_172 = arith.constant 128 : i32
      %add3A_173 = arith.addi %multiple_of3A_171, %add3A_172 : i32
      %dma_wait3A_174 = arith.constant 1 : i32
      %dma_wait3A_175 = arith.constant 0 : i32
      %dma_wait3A_176 = arith.constant 0 : i32
      %dma_wait3A_177 = tpu.memref_slice %arg9[%dma_wait3A_174, %dma_wait3A_175, %dma_wait3A_176] : memref<2x200x64xf32, #tpu.memory_space<vmem>> -> memref<1x128x64xf32, #tpu.memory_space<vmem>>
      %dma_wait3A_178 = tpu.memref_squeeze %dma_wait3A_177 : memref<1x128x64xf32, #tpu.memory_space<vmem>> -> memref<128x64xf32, #tpu.memory_space<vmem>>
      %dma_wait3A_179 = tpu.memref_slice %arg8[%multiple_of3A_171] : memref<6400xi32, #tpu.memory_space<vmem>> -> memref<128xi32, #tpu.memory_space<vmem>>
      %dma_wait3A_180 = arith.constant 0 : i32
      %dma_wait3A_181 = arith.constant 0 : i32
      %dma_wait3A_182 = tpu.memref_slice %arg3[%dma_wait3A_180, %dma_wait3A_181] : memref<100000x64xf32, #tpu.memory_space<hbm>> -> memref<100000x64xf32, #tpu.memory_space<hbm>>
      tpu.wait_indirect_dma semaphore(%arg15 : memref<!tpu.dma_semaphore, #tpu.memory_space<semaphore_mem>>) src(%dma_wait3A_182 : memref<100000x64xf32, #tpu.memory_space<hbm>>) dst(%dma_wait3A_178 : memref<128x64xf32, #tpu.memory_space<vmem>>)
      %dma_wait3A_183 = arith.constant 1 : i32
      %dma_wait3A_184 = arith.constant 128 : i32
      %dma_wait3A_185 = arith.constant 0 : i32
      %dma_wait3A_186 = tpu.memref_slice %arg9[%dma_wait3A_183, %dma_wait3A_184, %dma_wait3A_185] : memref<2x200x64xf32, #tpu.memory_space<vmem>> -> memref<1x72x64xf32, #tpu.memory_space<vmem>>
      %dma_wait3A_187 = tpu.memref_squeeze %dma_wait3A_186 : memref<1x72x64xf32, #tpu.memory_space<vmem>> -> memref<72x64xf32, #tpu.memory_space<vmem>>
      %dma_wait3A_188 = tpu.memref_slice %arg8[%add3A_173] : memref<6400xi32, #tpu.memory_space<vmem>> -> memref<72xi32, #tpu.memory_space<vmem>>
      %dma_wait3A_189 = arith.constant 0 : i32
      %dma_wait3A_190 = arith.constant 0 : i32
      %dma_wait3A_191 = tpu.memref_slice %arg3[%dma_wait3A_189, %dma_wait3A_190] : memref<100000x64xf32, #tpu.memory_space<hbm>> -> memref<100000x64xf32, #tpu.memory_space<hbm>>
      tpu.wait_indirect_dma semaphore(%arg15 : memref<!tpu.dma_semaphore, #tpu.memory_space<semaphore_mem>>) src(%dma_wait3A_191 : memref<100000x64xf32, #tpu.memory_space<hbm>>) dst(%dma_wait3A_187 : memref<72x64xf32, #tpu.memory_space<vmem>>)
      %gt3A_192 = arith.constant 0 : i32
      %gt3A_193 = arith.cmpi sgt, %scan3A_105, %gt3A_192 : i32
      %convert_element_type3A_194 = arith.extui %gt3A_193 : i1 to i32
      %cond3A_195 = arith.constant 0 : i32
      %cond3A_196 = arith.cmpi ne, %convert_element_type3A_194, %cond3A_195 : i32
      scf.if %cond3A_196 {
        %sub3A = arith.constant 2 : i32
        %sub3A_228 = arith.subi %add3A_168, %sub3A : i32
        %add3A_229 = arith.addi %mul3A_4, %sub3A_228 : i32
        %dma_wait3A_230 = arith.constant 1 : i32
        %dma_wait3A_231 = arith.constant 0 : i32
        %dma_wait3A_232 = arith.constant 0 : i32
        %dma_wait3A_233 = tpu.memref_slice %arg10[%dma_wait3A_230, %dma_wait3A_231, %dma_wait3A_232] : memref<2x200x64xf32, #tpu.memory_space<vmem>> -> memref<1x200x64xf32, #tpu.memory_space<vmem>>
        %dma_wait3A_234 = tpu.memref_squeeze %dma_wait3A_233 : memref<1x200x64xf32, #tpu.memory_space<vmem>> -> memref<200x64xf32, #tpu.memory_space<vmem>>
        %dma_wait3A_235 = arith.constant 0 : i32
        %dma_wait3A_236 = arith.constant 0 : i32
        %dma_wait3A_237 = tpu.memref_slice %arg7[%add3A_229, %dma_wait3A_235, %dma_wait3A_236] : memref<1024x200x64xf32, #tpu.memory_space<hbm>> -> memref<1x200x64xf32, #tpu.memory_space<hbm>>
        %dma_wait3A_238 = tpu.memref_squeeze %dma_wait3A_237 : memref<1x200x64xf32, #tpu.memory_space<hbm>> -> memref<200x64xf32, #tpu.memory_space<hbm>>
        %dma_wait3A_239 = arith.constant 0 : i32
        %dma_wait3A_240 = arith.constant 0 : i32
        %dma_wait3A_241 = tpu.memref_slice %arg7[%add3A_229, %dma_wait3A_239, %dma_wait3A_240] : memref<1024x200x64xf32, #tpu.memory_space<hbm>> -> memref<1x200x64xf32, #tpu.memory_space<hbm>>
        %dma_wait3A_242 = tpu.memref_squeeze %dma_wait3A_241 : memref<1x200x64xf32, #tpu.memory_space<hbm>> -> memref<200x64xf32, #tpu.memory_space<hbm>>
        %dma_wait3A_243 = arith.constant 0 : i32
        %dma_wait3A_244 = arith.constant 0 : i32
        %dma_wait3A_245 = tpu.memref_slice %arg10[%dma_wait3A_230, %dma_wait3A_243, %dma_wait3A_244] : memref<2x200x64xf32, #tpu.memory_space<vmem>> -> memref<1x200x64xf32, #tpu.memory_space<vmem>>
        %dma_wait3A_246 = tpu.memref_squeeze %dma_wait3A_245 : memref<1x200x64xf32, #tpu.memory_space<vmem>> -> memref<200x64xf32, #tpu.memory_space<vmem>>
        tpu.wait_dma2 semaphore(%arg17 : memref<!tpu.dma_semaphore, #tpu.memory_space<semaphore_mem>>) src(%dma_wait3A_246 : memref<200x64xf32, #tpu.memory_space<vmem>>) dst(%dma_wait3A_242 : memref<200x64xf32, #tpu.memory_space<hbm>>)
      } else {
      }
      %scan3A_197 = arith.constant 0 : i32
      %scan3A_198 = arith.constant 0 : i32
      %scan3A_199 = arith.constant 50 : i32
      %scan3A_200 = arith.addi %scan3A_198, %scan3A_199 : i32
      %scan3A_201 = arith.constant 1 : i32
      scf.for %scan3A_228 = %scan3A_198 to %scan3A_200 step %scan3A_201  : i32 {
        %mul3A_229 = arith.constant 4 : i32
        %mul3A_230 = arith.muli %scan3A_228, %mul3A_229 : i32
        %add3A_231 = arith.constant 0 : i32
        %add3A_232 = arith.addi %mul3A_230, %add3A_231 : i32
        %get3A_233 = arith.constant 1 : i32
        %get3A_234 = arith.index_cast %get3A_233 : i32 to index
        %get3A_235 = arith.index_cast %add3A_232 : i32 to index
        %get3A_236 = arith.constant 0 : index
        %get3A_237 = tpu.vector_load %arg9[%get3A_234, %get3A_235, %get3A_236] {strides = array<i32>} : memref<2x200x64xf32, #tpu.memory_space<vmem>>, vector<16xf32>,
        %add3A_238 = arith.constant 0 : i32
        %add3A_239 = arith.addi %mul3A_230, %add3A_238 : i32
        %get3A_240 = arith.index_cast %add3A_239 : i32 to index
        %get3A_241 = arith.constant 0 : index
        %get3A_242 = tpu.vector_load %arg11[%get3A_240, %get3A_241] {strides = array<i32>} : memref<200x64xf32, #tpu.memory_space<vmem>>, vector<16xf32>,
        %add3A_243 = arith.addf %get3A_237, %get3A_242 : vector<16xf32>
        %add3A_244 = arith.constant 0 : i32
        %add3A_245 = arith.addi %mul3A_230, %add3A_244 : i32
        %get3A_246 = arith.constant 1 : i32
        %get3A_247 = arith.index_cast %get3A_246 : i32 to index
        %get3A_248 = arith.index_cast %add3A_245 : i32 to index
        %get3A_249 = arith.constant 16 : index
        %get3A_250 = tpu.vector_load %arg9[%get3A_247, %get3A_248, %get3A_249] {strides = array<i32>} : memref<2x200x64xf32, #tpu.memory_space<vmem>>, vector<16xf32>,
        %add3A_251 = arith.constant 0 : i32
        %add3A_252 = arith.addi %mul3A_230, %add3A_251 : i32
        %get3A_253 = arith.index_cast %add3A_252 : i32 to index
        %get3A_254 = arith.constant 16 : index
        %get3A_255 = tpu.vector_load %arg11[%get3A_253, %get3A_254] {strides = array<i32>} : memref<200x64xf32, #tpu.memory_space<vmem>>, vector<16xf32>,
        %add3A_256 = arith.addf %get3A_250, %get3A_255 : vector<16xf32>
        %add3A_257 = arith.constant 0 : i32
        %add3A_258 = arith.addi %mul3A_230, %add3A_257 : i32
        %get3A_259 = arith.constant 1 : i32
        %get3A_260 = arith.index_cast %get3A_259 : i32 to index
        %get3A_261 = arith.index_cast %add3A_258 : i32 to index
        %get3A_262 = arith.constant 32 : index
        %get3A_263 = tpu.vector_load %arg9[%get3A_260, %get3A_261, %get3A_262] {strides = array<i32>} : memref<2x200x64xf32, #tpu.memory_space<vmem>>, vector<16xf32>,
        %add3A_264 = arith.constant 0 : i32
        %add3A_265 = arith.addi %mul3A_230, %add3A_264 : i32
        %get3A_266 = arith.index_cast %add3A_265 : i32 to index
        %get3A_267 = arith.constant 32 : index
        %get3A_268 = tpu.vector_load %arg11[%get3A_266, %get3A_267] {strides = array<i32>} : memref<200x64xf32, #tpu.memory_space<vmem>>, vector<16xf32>,
        %add3A_269 = arith.addf %get3A_263, %get3A_268 : vector<16xf32>
        %add3A_270 = arith.constant 0 : i32
        %add3A_271 = arith.addi %mul3A_230, %add3A_270 : i32
        %get3A_272 = arith.constant 1 : i32
        %get3A_273 = arith.index_cast %get3A_272 : i32 to index
        %get3A_274 = arith.index_cast %add3A_271 : i32 to index
        %get3A_275 = arith.constant 48 : index
        %get3A_276 = tpu.vector_load %arg9[%get3A_273, %get3A_274, %get3A_275] {strides = array<i32>} : memref<2x200x64xf32, #tpu.memory_space<vmem>>, vector<16xf32>,
        %add3A_277 = arith.constant 0 : i32
        %add3A_278 = arith.addi %mul3A_230, %add3A_277 : i32
        %get3A_279 = arith.index_cast %add3A_278 : i32 to index
        %get3A_280 = arith.constant 48 : index
        %get3A_281 = tpu.vector_load %arg11[%get3A_279, %get3A_280] {strides = array<i32>} : memref<200x64xf32, #tpu.memory_space<vmem>>, vector<16xf32>,
        %add3A_282 = arith.addf %get3A_276, %get3A_281 : vector<16xf32>
        %add3A_283 = arith.constant 1 : i32
        %add3A_284 = arith.addi %mul3A_230, %add3A_283 : i32
        %get3A_285 = arith.constant 1 : i32
        %get3A_286 = arith.index_cast %get3A_285 : i32 to index
        %get3A_287 = arith.index_cast %add3A_284 : i32 to index
        %get3A_288 = arith.constant 0 : index
        %get3A_289 = tpu.vector_load %arg9[%get3A_286, %get3A_287, %get3A_288] {strides = array<i32>} : memref<2x200x64xf32, #tpu.memory_space<vmem>>, vector<16xf32>,
        %add3A_290 = arith.constant 1 : i32
        %add3A_291 = arith.addi %mul3A_230, %add3A_290 : i32
        %get3A_292 = arith.index_cast %add3A_291 : i32 to index
        %get3A_293 = arith.constant 0 : index
        %get3A_294 = tpu.vector_load %arg11[%get3A_292, %get3A_293] {strides = array<i32>} : memref<200x64xf32, #tpu.memory_space<vmem>>, vector<16xf32>,
        %add3A_295 = arith.addf %get3A_289, %get3A_294 : vector<16xf32>
        %add3A_296 = arith.constant 1 : i32
        %add3A_297 = arith.addi %mul3A_230, %add3A_296 : i32
        %get3A_298 = arith.constant 1 : i32
        %get3A_299 = arith.index_cast %get3A_298 : i32 to index
        %get3A_300 = arith.index_cast %add3A_297 : i32 to index
        %get3A_301 = arith.constant 16 : index
        %get3A_302 = tpu.vector_load %arg9[%get3A_299, %get3A_300, %get3A_301] {strides = array<i32>} : memref<2x200x64xf32, #tpu.memory_space<vmem>>, vector<16xf32>,
        %add3A_303 = arith.constant 1 : i32
        %add3A_304 = arith.addi %mul3A_230, %add3A_303 : i32
        %get3A_305 = arith.index_cast %add3A_304 : i32 to index
        %get3A_306 = arith.constant 16 : index
        %get3A_307 = tpu.vector_load %arg11[%get3A_305, %get3A_306] {strides = array<i32>} : memref<200x64xf32, #tpu.memory_space<vmem>>, vector<16xf32>,
        %add3A_308 = arith.addf %get3A_302, %get3A_307 : vector<16xf32>
        %add3A_309 = arith.constant 1 : i32
        %add3A_310 = arith.addi %mul3A_230, %add3A_309 : i32
        %get3A_311 = arith.constant 1 : i32
        %get3A_312 = arith.index_cast %get3A_311 : i32 to index
        %get3A_313 = arith.index_cast %add3A_310 : i32 to index
        %get3A_314 = arith.constant 32 : index
        %get3A_315 = tpu.vector_load %arg9[%get3A_312, %get3A_313, %get3A_314] {strides = array<i32>} : memref<2x200x64xf32, #tpu.memory_space<vmem>>, vector<16xf32>,
        %add3A_316 = arith.constant 1 : i32
        %add3A_317 = arith.addi %mul3A_230, %add3A_316 : i32
        %get3A_318 = arith.index_cast %add3A_317 : i32 to index
        %get3A_319 = arith.constant 32 : index
        %get3A_320 = tpu.vector_load %arg11[%get3A_318, %get3A_319] {strides = array<i32>} : memref<200x64xf32, #tpu.memory_space<vmem>>, vector<16xf32>,
        %add3A_321 = arith.addf %get3A_315, %get3A_320 : vector<16xf32>
        %add3A_322 = arith.constant 1 : i32
        %add3A_323 = arith.addi %mul3A_230, %add3A_322 : i32
        %get3A_324 = arith.constant 1 : i32
        %get3A_325 = arith.index_cast %get3A_324 : i32 to index
        %get3A_326 = arith.index_cast %add3A_323 : i32 to index
        %get3A_327 = arith.constant 48 : index
        %get3A_328 = tpu.vector_load %arg9[%get3A_325, %get3A_326, %get3A_327] {strides = array<i32>} : memref<2x200x64xf32, #tpu.memory_space<vmem>>, vector<16xf32>,
        %add3A_329 = arith.constant 1 : i32
        %add3A_330 = arith.addi %mul3A_230, %add3A_329 : i32
        %get3A_331 = arith.index_cast %add3A_330 : i32 to index
        %get3A_332 = arith.constant 48 : index
        %get3A_333 = tpu.vector_load %arg11[%get3A_331, %get3A_332] {strides = array<i32>} : memref<200x64xf32, #tpu.memory_space<vmem>>, vector<16xf32>,
        %add3A_334 = arith.addf %get3A_328, %get3A_333 : vector<16xf32>
        %add3A_335 = arith.constant 2 : i32
        %add3A_336 = arith.addi %mul3A_230, %add3A_335 : i32
        %get3A_337 = arith.constant 1 : i32
        %get3A_338 = arith.index_cast %get3A_337 : i32 to index
        %get3A_339 = arith.index_cast %add3A_336 : i32 to index
        %get3A_340 = arith.constant 0 : index
        %get3A_341 = tpu.vector_load %arg9[%get3A_338, %get3A_339, %get3A_340] {strides = array<i32>} : memref<2x200x64xf32, #tpu.memory_space<vmem>>, vector<16xf32>,
        %add3A_342 = arith.constant 2 : i32
        %add3A_343 = arith.addi %mul3A_230, %add3A_342 : i32
        %get3A_344 = arith.index_cast %add3A_343 : i32 to index
        %get3A_345 = arith.constant 0 : index
        %get3A_346 = tpu.vector_load %arg11[%get3A_344, %get3A_345] {strides = array<i32>} : memref<200x64xf32, #tpu.memory_space<vmem>>, vector<16xf32>,
        %add3A_347 = arith.addf %get3A_341, %get3A_346 : vector<16xf32>
        %add3A_348 = arith.constant 2 : i32
        %add3A_349 = arith.addi %mul3A_230, %add3A_348 : i32
        %get3A_350 = arith.constant 1 : i32
        %get3A_351 = arith.index_cast %get3A_350 : i32 to index
        %get3A_352 = arith.index_cast %add3A_349 : i32 to index
        %get3A_353 = arith.constant 16 : index
        %get3A_354 = tpu.vector_load %arg9[%get3A_351, %get3A_352, %get3A_353] {strides = array<i32>} : memref<2x200x64xf32, #tpu.memory_space<vmem>>, vector<16xf32>,
        %add3A_355 = arith.constant 2 : i32
        %add3A_356 = arith.addi %mul3A_230, %add3A_355 : i32
        %get3A_357 = arith.index_cast %add3A_356 : i32 to index
        %get3A_358 = arith.constant 16 : index
        %get3A_359 = tpu.vector_load %arg11[%get3A_357, %get3A_358] {strides = array<i32>} : memref<200x64xf32, #tpu.memory_space<vmem>>, vector<16xf32>,
        %add3A_360 = arith.addf %get3A_354, %get3A_359 : vector<16xf32>
        %add3A_361 = arith.constant 2 : i32
        %add3A_362 = arith.addi %mul3A_230, %add3A_361 : i32
        %get3A_363 = arith.constant 1 : i32
        %get3A_364 = arith.index_cast %get3A_363 : i32 to index
        %get3A_365 = arith.index_cast %add3A_362 : i32 to index
        %get3A_366 = arith.constant 32 : index
        %get3A_367 = tpu.vector_load %arg9[%get3A_364, %get3A_365, %get3A_366] {strides = array<i32>} : memref<2x200x64xf32, #tpu.memory_space<vmem>>, vector<16xf32>,
        %add3A_368 = arith.constant 2 : i32
        %add3A_369 = arith.addi %mul3A_230, %add3A_368 : i32
        %get3A_370 = arith.index_cast %add3A_369 : i32 to index
        %get3A_371 = arith.constant 32 : index
        %get3A_372 = tpu.vector_load %arg11[%get3A_370, %get3A_371] {strides = array<i32>} : memref<200x64xf32, #tpu.memory_space<vmem>>, vector<16xf32>,
        %add3A_373 = arith.addf %get3A_367, %get3A_372 : vector<16xf32>
        %add3A_374 = arith.constant 2 : i32
        %add3A_375 = arith.addi %mul3A_230, %add3A_374 : i32
        %get3A_376 = arith.constant 1 : i32
        %get3A_377 = arith.index_cast %get3A_376 : i32 to index
        %get3A_378 = arith.index_cast %add3A_375 : i32 to index
        %get3A_379 = arith.constant 48 : index
        %get3A_380 = tpu.vector_load %arg9[%get3A_377, %get3A_378, %get3A_379] {strides = array<i32>} : memref<2x200x64xf32, #tpu.memory_space<vmem>>, vector<16xf32>,
        %add3A_381 = arith.constant 2 : i32
        %add3A_382 = arith.addi %mul3A_230, %add3A_381 : i32
        %get3A_383 = arith.index_cast %add3A_382 : i32 to index
        %get3A_384 = arith.constant 48 : index
        %get3A_385 = tpu.vector_load %arg11[%get3A_383, %get3A_384] {strides = array<i32>} : memref<200x64xf32, #tpu.memory_space<vmem>>, vector<16xf32>,
        %add3A_386 = arith.addf %get3A_380, %get3A_385 : vector<16xf32>
        %add3A_387 = arith.constant 3 : i32
        %add3A_388 = arith.addi %mul3A_230, %add3A_387 : i32
        %get3A_389 = arith.constant 1 : i32
        %get3A_390 = arith.index_cast %get3A_389 : i32 to index
        %get3A_391 = arith.index_cast %add3A_388 : i32 to index
        %get3A_392 = arith.constant 0 : index
        %get3A_393 = tpu.vector_load %arg9[%get3A_390, %get3A_391, %get3A_392] {strides = array<i32>} : memref<2x200x64xf32, #tpu.memory_space<vmem>>, vector<16xf32>,
        %add3A_394 = arith.constant 3 : i32
        %add3A_395 = arith.addi %mul3A_230, %add3A_394 : i32
        %get3A_396 = arith.index_cast %add3A_395 : i32 to index
        %get3A_397 = arith.constant 0 : index
        %get3A_398 = tpu.vector_load %arg11[%get3A_396, %get3A_397] {strides = array<i32>} : memref<200x64xf32, #tpu.memory_space<vmem>>, vector<16xf32>,
        %add3A_399 = arith.addf %get3A_393, %get3A_398 : vector<16xf32>
        %add3A_400 = arith.constant 3 : i32
        %add3A_401 = arith.addi %mul3A_230, %add3A_400 : i32
        %get3A_402 = arith.constant 1 : i32
        %get3A_403 = arith.index_cast %get3A_402 : i32 to index
        %get3A_404 = arith.index_cast %add3A_401 : i32 to index
        %get3A_405 = arith.constant 16 : index
        %get3A_406 = tpu.vector_load %arg9[%get3A_403, %get3A_404, %get3A_405] {strides = array<i32>} : memref<2x200x64xf32, #tpu.memory_space<vmem>>, vector<16xf32>,
        %add3A_407 = arith.constant 3 : i32
        %add3A_408 = arith.addi %mul3A_230, %add3A_407 : i32
        %get3A_409 = arith.index_cast %add3A_408 : i32 to index
        %get3A_410 = arith.constant 16 : index
        %get3A_411 = tpu.vector_load %arg11[%get3A_409, %get3A_410] {strides = array<i32>} : memref<200x64xf32, #tpu.memory_space<vmem>>, vector<16xf32>,
        %add3A_412 = arith.addf %get3A_406, %get3A_411 : vector<16xf32>
        %add3A_413 = arith.constant 3 : i32
        %add3A_414 = arith.addi %mul3A_230, %add3A_413 : i32
        %get3A_415 = arith.constant 1 : i32
        %get3A_416 = arith.index_cast %get3A_415 : i32 to index
        %get3A_417 = arith.index_cast %add3A_414 : i32 to index
        %get3A_418 = arith.constant 32 : index
        %get3A_419 = tpu.vector_load %arg9[%get3A_416, %get3A_417, %get3A_418] {strides = array<i32>} : memref<2x200x64xf32, #tpu.memory_space<vmem>>, vector<16xf32>,
        %add3A_420 = arith.constant 3 : i32
        %add3A_421 = arith.addi %mul3A_230, %add3A_420 : i32
        %get3A_422 = arith.index_cast %add3A_421 : i32 to index
        %get3A_423 = arith.constant 32 : index
        %get3A_424 = tpu.vector_load %arg11[%get3A_422, %get3A_423] {strides = array<i32>} : memref<200x64xf32, #tpu.memory_space<vmem>>, vector<16xf32>,
        %add3A_425 = arith.addf %get3A_419, %get3A_424 : vector<16xf32>
        %add3A_426 = arith.constant 3 : i32
        %add3A_427 = arith.addi %mul3A_230, %add3A_426 : i32
        %get3A_428 = arith.constant 1 : i32
        %get3A_429 = arith.index_cast %get3A_428 : i32 to index
        %get3A_430 = arith.index_cast %add3A_427 : i32 to index
        %get3A_431 = arith.constant 48 : index
        %get3A_432 = tpu.vector_load %arg9[%get3A_429, %get3A_430, %get3A_431] {strides = array<i32>} : memref<2x200x64xf32, #tpu.memory_space<vmem>>, vector<16xf32>,
        %add3A_433 = arith.constant 3 : i32
        %add3A_434 = arith.addi %mul3A_230, %add3A_433 : i32
        %get3A_435 = arith.index_cast %add3A_434 : i32 to index
        %get3A_436 = arith.constant 48 : index
        %get3A_437 = tpu.vector_load %arg11[%get3A_435, %get3A_436] {strides = array<i32>} : memref<200x64xf32, #tpu.memory_space<vmem>>, vector<16xf32>,
        %add3A_438 = arith.addf %get3A_432, %get3A_437 : vector<16xf32>
        %add3A_439 = arith.addf %add3A_243, %add3A_256 : vector<16xf32>
        %add3A_440 = arith.addf %add3A_269, %add3A_282 : vector<16xf32>
        %add3A_441 = arith.addf %add3A_439, %add3A_440 : vector<16xf32>
        %add3A_442 = arith.addf %add3A_295, %add3A_308 : vector<16xf32>
        %add3A_443 = arith.addf %add3A_321, %add3A_334 : vector<16xf32>
        %add3A_444 = arith.addf %add3A_442, %add3A_443 : vector<16xf32>
        %add3A_445 = arith.addf %add3A_347, %add3A_360 : vector<16xf32>
        %add3A_446 = arith.addf %add3A_373, %add3A_386 : vector<16xf32>
        %add3A_447 = arith.addf %add3A_445, %add3A_446 : vector<16xf32>
        %add3A_448 = arith.addf %add3A_399, %add3A_412 : vector<16xf32>
        %add3A_449 = arith.addf %add3A_425, %add3A_438 : vector<16xf32>
        %add3A_450 = arith.addf %add3A_448, %add3A_449 : vector<16xf32>
        %mul3A_451 = arith.mulf %add3A_243, %add3A_243 : vector<16xf32>
        %mul3A_452 = arith.mulf %add3A_256, %add3A_256 : vector<16xf32>
        %add3A_453 = arith.addf %mul3A_451, %mul3A_452 : vector<16xf32>
        %mul3A_454 = arith.mulf %add3A_269, %add3A_269 : vector<16xf32>
        %mul3A_455 = arith.mulf %add3A_282, %add3A_282 : vector<16xf32>
        %add3A_456 = arith.addf %mul3A_454, %mul3A_455 : vector<16xf32>
        %add3A_457 = arith.addf %add3A_453, %add3A_456 : vector<16xf32>
        %mul3A_458 = arith.mulf %add3A_295, %add3A_295 : vector<16xf32>
        %mul3A_459 = arith.mulf %add3A_308, %add3A_308 : vector<16xf32>
        %add3A_460 = arith.addf %mul3A_458, %mul3A_459 : vector<16xf32>
        %mul3A_461 = arith.mulf %add3A_321, %add3A_321 : vector<16xf32>
        %mul3A_462 = arith.mulf %add3A_334, %add3A_334 : vector<16xf32>
        %add3A_463 = arith.addf %mul3A_461, %mul3A_462 : vector<16xf32>
        %add3A_464 = arith.addf %add3A_460, %add3A_463 : vector<16xf32>
        %mul3A_465 = arith.mulf %add3A_347, %add3A_347 : vector<16xf32>
        %mul3A_466 = arith.mulf %add3A_360, %add3A_360 : vector<16xf32>
        %add3A_467 = arith.addf %mul3A_465, %mul3A_466 : vector<16xf32>
        %mul3A_468 = arith.mulf %add3A_373, %add3A_373 : vector<16xf32>
        %mul3A_469 = arith.mulf %add3A_386, %add3A_386 : vector<16xf32>
        %add3A_470 = arith.addf %mul3A_468, %mul3A_469 : vector<16xf32>
        %add3A_471 = arith.addf %add3A_467, %add3A_470 : vector<16xf32>
        %mul3A_472 = arith.mulf %add3A_399, %add3A_399 : vector<16xf32>
        %mul3A_473 = arith.mulf %add3A_412, %add3A_412 : vector<16xf32>
        %add3A_474 = arith.addf %mul3A_472, %mul3A_473 : vector<16xf32>
        %mul3A_475 = arith.mulf %add3A_425, %add3A_425 : vector<16xf32>
        %mul3A_476 = arith.mulf %add3A_438, %add3A_438 : vector<16xf32>
        %add3A_477 = arith.addf %mul3A_475, %mul3A_476 : vector<16xf32>
        %add3A_478 = arith.addf %add3A_474, %add3A_477 : vector<16xf32>
        %reduce_sum3A = arith.constant true
        %reduce_sum3A_479 = vector.broadcast %reduce_sum3A : i1 to vector<16xi1>
        %reduce_sum3A_480 = tpu.scan <sum>, %add3A_441 masked %reduce_sum3A_479 : vector<16xf32>, vector<16xi1> -> vector<16xf32>
        %reduce_sum3A_481 = vector.extract %reduce_sum3A_480[15] : f32 from vector<16xf32>
        %broadcast_in_dim3A = vector.broadcast %reduce_sum3A_481 : f32 to vector<16xf32>
        %mul3A_482 = arith.constant 1.562500e-02 : f32
        %mul3A_483 = vector.broadcast %mul3A_482 : f32 to vector<16xf32>
        %mul3A_484 = arith.mulf %broadcast_in_dim3A, %mul3A_483 : vector<16xf32>
        %reduce_sum3A_485 = arith.constant true
        %reduce_sum3A_486 = vector.broadcast %reduce_sum3A_485 : i1 to vector<16xi1>
        %reduce_sum3A_487 = tpu.scan <sum>, %add3A_444 masked %reduce_sum3A_486 : vector<16xf32>, vector<16xi1> -> vector<16xf32>
        %reduce_sum3A_488 = vector.extract %reduce_sum3A_487[15] : f32 from vector<16xf32>
        %broadcast_in_dim3A_489 = vector.broadcast %reduce_sum3A_488 : f32 to vector<16xf32>
        %mul3A_490 = arith.constant 1.562500e-02 : f32
        %mul3A_491 = vector.broadcast %mul3A_490 : f32 to vector<16xf32>
        %mul3A_492 = arith.mulf %broadcast_in_dim3A_489, %mul3A_491 : vector<16xf32>
        %reduce_sum3A_493 = arith.constant true
        %reduce_sum3A_494 = vector.broadcast %reduce_sum3A_493 : i1 to vector<16xi1>
        %reduce_sum3A_495 = tpu.scan <sum>, %add3A_447 masked %reduce_sum3A_494 : vector<16xf32>, vector<16xi1> -> vector<16xf32>
        %reduce_sum3A_496 = vector.extract %reduce_sum3A_495[15] : f32 from vector<16xf32>
        %broadcast_in_dim3A_497 = vector.broadcast %reduce_sum3A_496 : f32 to vector<16xf32>
        %mul3A_498 = arith.constant 1.562500e-02 : f32
        %mul3A_499 = vector.broadcast %mul3A_498 : f32 to vector<16xf32>
        %mul3A_500 = arith.mulf %broadcast_in_dim3A_497, %mul3A_499 : vector<16xf32>
        %reduce_sum3A_501 = arith.constant true
        %reduce_sum3A_502 = vector.broadcast %reduce_sum3A_501 : i1 to vector<16xi1>
        %reduce_sum3A_503 = tpu.scan <sum>, %add3A_450 masked %reduce_sum3A_502 : vector<16xf32>, vector<16xi1> -> vector<16xf32>
        %reduce_sum3A_504 = vector.extract %reduce_sum3A_503[15] : f32 from vector<16xf32>
        %broadcast_in_dim3A_505 = vector.broadcast %reduce_sum3A_504 : f32 to vector<16xf32>
        %mul3A_506 = arith.constant 1.562500e-02 : f32
        %mul3A_507 = vector.broadcast %mul3A_506 : f32 to vector<16xf32>
        %mul3A_508 = arith.mulf %broadcast_in_dim3A_505, %mul3A_507 : vector<16xf32>
        %reduce_sum3A_509 = arith.constant true
        %reduce_sum3A_510 = vector.broadcast %reduce_sum3A_509 : i1 to vector<16xi1>
        %reduce_sum3A_511 = tpu.scan <sum>, %add3A_457 masked %reduce_sum3A_510 : vector<16xf32>, vector<16xi1> -> vector<16xf32>
        %reduce_sum3A_512 = vector.extract %reduce_sum3A_511[15] : f32 from vector<16xf32>
        %broadcast_in_dim3A_513 = vector.broadcast %reduce_sum3A_512 : f32 to vector<16xf32>
        %mul3A_514 = arith.constant 1.562500e-02 : f32
        %mul3A_515 = vector.broadcast %mul3A_514 : f32 to vector<16xf32>
        %mul3A_516 = arith.mulf %broadcast_in_dim3A_513, %mul3A_515 : vector<16xf32>
        %reduce_sum3A_517 = arith.constant true
        %reduce_sum3A_518 = vector.broadcast %reduce_sum3A_517 : i1 to vector<16xi1>
        %reduce_sum3A_519 = tpu.scan <sum>, %add3A_464 masked %reduce_sum3A_518 : vector<16xf32>, vector<16xi1> -> vector<16xf32>
        %reduce_sum3A_520 = vector.extract %reduce_sum3A_519[15] : f32 from vector<16xf32>
        %broadcast_in_dim3A_521 = vector.broadcast %reduce_sum3A_520 : f32 to vector<16xf32>
        %mul3A_522 = arith.constant 1.562500e-02 : f32
        %mul3A_523 = vector.broadcast %mul3A_522 : f32 to vector<16xf32>
        %mul3A_524 = arith.mulf %broadcast_in_dim3A_521, %mul3A_523 : vector<16xf32>
        %reduce_sum3A_525 = arith.constant true
        %reduce_sum3A_526 = vector.broadcast %reduce_sum3A_525 : i1 to vector<16xi1>
        %reduce_sum3A_527 = tpu.scan <sum>, %add3A_471 masked %reduce_sum3A_526 : vector<16xf32>, vector<16xi1> -> vector<16xf32>
        %reduce_sum3A_528 = vector.extract %reduce_sum3A_527[15] : f32 from vector<16xf32>
        %broadcast_in_dim3A_529 = vector.broadcast %reduce_sum3A_528 : f32 to vector<16xf32>
        %mul3A_530 = arith.constant 1.562500e-02 : f32
        %mul3A_531 = vector.broadcast %mul3A_530 : f32 to vector<16xf32>
        %mul3A_532 = arith.mulf %broadcast_in_dim3A_529, %mul3A_531 : vector<16xf32>
        %reduce_sum3A_533 = arith.constant true
        %reduce_sum3A_534 = vector.broadcast %reduce_sum3A_533 : i1 to vector<16xi1>
        %reduce_sum3A_535 = tpu.scan <sum>, %add3A_478 masked %reduce_sum3A_534 : vector<16xf32>, vector<16xi1> -> vector<16xf32>
        %reduce_sum3A_536 = vector.extract %reduce_sum3A_535[15] : f32 from vector<16xf32>
        %broadcast_in_dim3A_537 = vector.broadcast %reduce_sum3A_536 : f32 to vector<16xf32>
        %mul3A_538 = arith.constant 1.562500e-02 : f32
        %mul3A_539 = vector.broadcast %mul3A_538 : f32 to vector<16xf32>
        %mul3A_540 = arith.mulf %broadcast_in_dim3A_537, %mul3A_539 : vector<16xf32>
        %mul3A_541 = arith.mulf %mul3A_484, %mul3A_484 : vector<16xf32>
        %sub3A = arith.subf %mul3A_516, %mul3A_541 : vector<16xf32>
        %mul3A_542 = arith.mulf %mul3A_492, %mul3A_492 : vector<16xf32>
        %sub3A_543 = arith.subf %mul3A_524, %mul3A_542 : vector<16xf32>
        %mul3A_544 = arith.mulf %mul3A_500, %mul3A_500 : vector<16xf32>
        %sub3A_545 = arith.subf %mul3A_532, %mul3A_544 : vector<16xf32>
        %mul3A_546 = arith.mulf %mul3A_508, %mul3A_508 : vector<16xf32>
        %sub3A_547 = arith.subf %mul3A_540, %mul3A_546 : vector<16xf32>
        %add3A_548 = arith.constant 9.99999974E-6 : f32
        %add3A_549 = vector.broadcast %add3A_548 : f32 to vector<16xf32>
        %add3A_550 = arith.addf %sub3A, %add3A_549 : vector<16xf32>
        %rsqrt3A = math.rsqrt %add3A_550 : vector<16xf32>
        %add3A_551 = arith.constant 9.99999974E-6 : f32
        %add3A_552 = vector.broadcast %add3A_551 : f32 to vector<16xf32>
        %add3A_553 = arith.addf %sub3A_543, %add3A_552 : vector<16xf32>
        %rsqrt3A_554 = math.rsqrt %add3A_553 : vector<16xf32>
        %add3A_555 = arith.constant 9.99999974E-6 : f32
        %add3A_556 = vector.broadcast %add3A_555 : f32 to vector<16xf32>
        %add3A_557 = arith.addf %sub3A_545, %add3A_556 : vector<16xf32>
        %rsqrt3A_558 = math.rsqrt %add3A_557 : vector<16xf32>
        %add3A_559 = arith.constant 9.99999974E-6 : f32
        %add3A_560 = vector.broadcast %add3A_559 : f32 to vector<16xf32>
        %add3A_561 = arith.addf %sub3A_547, %add3A_560 : vector<16xf32>
        %rsqrt3A_562 = math.rsqrt %add3A_561 : vector<16xf32>
        %mul3A_563 = arith.mulf %mul3A_484, %rsqrt3A : vector<16xf32>
        %mul3A_564 = arith.mulf %mul3A_492, %rsqrt3A_554 : vector<16xf32>
        %mul3A_565 = arith.mulf %mul3A_500, %rsqrt3A_558 : vector<16xf32>
        %mul3A_566 = arith.mulf %mul3A_508, %rsqrt3A_562 : vector<16xf32>
        %mul3A_567 = arith.mulf %add3A_243, %rsqrt3A : vector<16xf32>
        %sub3A_568 = arith.subf %mul3A_567, %mul3A_563 : vector<16xf32>
        %mul3A_569 = arith.mulf %sub3A_568, %get3A_5 : vector<16xf32>
        %add3A_570 = arith.addf %mul3A_569, %get3A_13 : vector<16xf32>
        %add3A_571 = arith.constant 0 : i32
        %add3A_572 = arith.addi %mul3A_230, %add3A_571 : i32
        %swap3A = arith.constant 1 : i32
        %swap3A_573 = arith.index_cast %swap3A : i32 to index
        %swap3A_574 = arith.index_cast %add3A_572 : i32 to index
        %swap3A_575 = arith.constant 0 : index
        %swap3A_576 = tpu.vector_load %arg10[%swap3A_573, %swap3A_574, %swap3A_575] {strides = array<i32>} : memref<2x200x64xf32, #tpu.memory_space<vmem>>, vector<16xf32>,
        tpu.vector_store %arg10[%swap3A_573, %swap3A_574, %swap3A_575], %add3A_570 {strides = array<i32>} : memref<2x200x64xf32, #tpu.memory_space<vmem>>, vector<16xf32>,
        %mul3A_577 = arith.mulf %add3A_256, %rsqrt3A : vector<16xf32>
        %sub3A_578 = arith.subf %mul3A_577, %mul3A_563 : vector<16xf32>
        %mul3A_579 = arith.mulf %sub3A_578, %get3A_7 : vector<16xf32>
        %add3A_580 = arith.addf %mul3A_579, %get3A_15 : vector<16xf32>
        %add3A_581 = arith.constant 0 : i32
        %add3A_582 = arith.addi %mul3A_230, %add3A_581 : i32
        %swap3A_583 = arith.constant 1 : i32
        %swap3A_584 = arith.index_cast %swap3A_583 : i32 to index
        %swap3A_585 = arith.index_cast %add3A_582 : i32 to index
        %swap3A_586 = arith.constant 16 : index
        %swap3A_587 = tpu.vector_load %arg10[%swap3A_584, %swap3A_585, %swap3A_586] {strides = array<i32>} : memref<2x200x64xf32, #tpu.memory_space<vmem>>, vector<16xf32>,
        tpu.vector_store %arg10[%swap3A_584, %swap3A_585, %swap3A_586], %add3A_580 {strides = array<i32>} : memref<2x200x64xf32, #tpu.memory_space<vmem>>, vector<16xf32>,
        %mul3A_588 = arith.mulf %add3A_269, %rsqrt3A : vector<16xf32>
        %sub3A_589 = arith.subf %mul3A_588, %mul3A_563 : vector<16xf32>
        %mul3A_590 = arith.mulf %sub3A_589, %get3A_9 : vector<16xf32>
        %add3A_591 = arith.addf %mul3A_590, %get3A_17 : vector<16xf32>
        %add3A_592 = arith.constant 0 : i32
        %add3A_593 = arith.addi %mul3A_230, %add3A_592 : i32
        %swap3A_594 = arith.constant 1 : i32
        %swap3A_595 = arith.index_cast %swap3A_594 : i32 to index
        %swap3A_596 = arith.index_cast %add3A_593 : i32 to index
        %swap3A_597 = arith.constant 32 : index
        %swap3A_598 = tpu.vector_load %arg10[%swap3A_595, %swap3A_596, %swap3A_597] {strides = array<i32>} : memref<2x200x64xf32, #tpu.memory_space<vmem>>, vector<16xf32>,
        tpu.vector_store %arg10[%swap3A_595, %swap3A_596, %swap3A_597], %add3A_591 {strides = array<i32>} : memref<2x200x64xf32, #tpu.memory_space<vmem>>, vector<16xf32>,
        %mul3A_599 = arith.mulf %add3A_282, %rsqrt3A : vector<16xf32>
        %sub3A_600 = arith.subf %mul3A_599, %mul3A_563 : vector<16xf32>
        %mul3A_601 = arith.mulf %sub3A_600, %get3A_11 : vector<16xf32>
        %add3A_602 = arith.addf %mul3A_601, %get3A_19 : vector<16xf32>
        %add3A_603 = arith.constant 0 : i32
        %add3A_604 = arith.addi %mul3A_230, %add3A_603 : i32
        %swap3A_605 = arith.constant 1 : i32
        %swap3A_606 = arith.index_cast %swap3A_605 : i32 to index
        %swap3A_607 = arith.index_cast %add3A_604 : i32 to index
        %swap3A_608 = arith.constant 48 : index
        %swap3A_609 = tpu.vector_load %arg10[%swap3A_606, %swap3A_607, %swap3A_608] {strides = array<i32>} : memref<2x200x64xf32, #tpu.memory_space<vmem>>, vector<16xf32>,
        tpu.vector_store %arg10[%swap3A_606, %swap3A_607, %swap3A_608], %add3A_602 {strides = array<i32>} : memref<2x200x64xf32, #tpu.memory_space<vmem>>, vector<16xf32>,
        %mul3A_610 = arith.mulf %add3A_295, %rsqrt3A_554 : vector<16xf32>
        %sub3A_611 = arith.subf %mul3A_610, %mul3A_564 : vector<16xf32>
        %mul3A_612 = arith.mulf %sub3A_611, %get3A_5 : vector<16xf32>
        %add3A_613 = arith.addf %mul3A_612, %get3A_13 : vector<16xf32>
        %add3A_614 = arith.constant 1 : i32
        %add3A_615 = arith.addi %mul3A_230, %add3A_614 : i32
        %swap3A_616 = arith.constant 1 : i32
        %swap3A_617 = arith.index_cast %swap3A_616 : i32 to index
        %swap3A_618 = arith.index_cast %add3A_615 : i32 to index
        %swap3A_619 = arith.constant 0 : index
        %swap3A_620 = tpu.vector_load %arg10[%swap3A_617, %swap3A_618, %swap3A_619] {strides = array<i32>} : memref<2x200x64xf32, #tpu.memory_space<vmem>>, vector<16xf32>,
        tpu.vector_store %arg10[%swap3A_617, %swap3A_618, %swap3A_619], %add3A_613 {strides = array<i32>} : memref<2x200x64xf32, #tpu.memory_space<vmem>>, vector<16xf32>,
        %mul3A_621 = arith.mulf %add3A_308, %rsqrt3A_554 : vector<16xf32>
        %sub3A_622 = arith.subf %mul3A_621, %mul3A_564 : vector<16xf32>
        %mul3A_623 = arith.mulf %sub3A_622, %get3A_7 : vector<16xf32>
        %add3A_624 = arith.addf %mul3A_623, %get3A_15 : vector<16xf32>
        %add3A_625 = arith.constant 1 : i32
        %add3A_626 = arith.addi %mul3A_230, %add3A_625 : i32
        %swap3A_627 = arith.constant 1 : i32
        %swap3A_628 = arith.index_cast %swap3A_627 : i32 to index
        %swap3A_629 = arith.index_cast %add3A_626 : i32 to index
        %swap3A_630 = arith.constant 16 : index
        %swap3A_631 = tpu.vector_load %arg10[%swap3A_628, %swap3A_629, %swap3A_630] {strides = array<i32>} : memref<2x200x64xf32, #tpu.memory_space<vmem>>, vector<16xf32>,
        tpu.vector_store %arg10[%swap3A_628, %swap3A_629, %swap3A_630], %add3A_624 {strides = array<i32>} : memref<2x200x64xf32, #tpu.memory_space<vmem>>, vector<16xf32>,
        %mul3A_632 = arith.mulf %add3A_321, %rsqrt3A_554 : vector<16xf32>
        %sub3A_633 = arith.subf %mul3A_632, %mul3A_564 : vector<16xf32>
        %mul3A_634 = arith.mulf %sub3A_633, %get3A_9 : vector<16xf32>
        %add3A_635 = arith.addf %mul3A_634, %get3A_17 : vector<16xf32>
        %add3A_636 = arith.constant 1 : i32
        %add3A_637 = arith.addi %mul3A_230, %add3A_636 : i32
        %swap3A_638 = arith.constant 1 : i32
        %swap3A_639 = arith.index_cast %swap3A_638 : i32 to index
        %swap3A_640 = arith.index_cast %add3A_637 : i32 to index
        %swap3A_641 = arith.constant 32 : index
        %swap3A_642 = tpu.vector_load %arg10[%swap3A_639, %swap3A_640, %swap3A_641] {strides = array<i32>} : memref<2x200x64xf32, #tpu.memory_space<vmem>>, vector<16xf32>,
        tpu.vector_store %arg10[%swap3A_639, %swap3A_640, %swap3A_641], %add3A_635 {strides = array<i32>} : memref<2x200x64xf32, #tpu.memory_space<vmem>>, vector<16xf32>,
        %mul3A_643 = arith.mulf %add3A_334, %rsqrt3A_554 : vector<16xf32>
        %sub3A_644 = arith.subf %mul3A_643, %mul3A_564 : vector<16xf32>
        %mul3A_645 = arith.mulf %sub3A_644, %get3A_11 : vector<16xf32>
        %add3A_646 = arith.addf %mul3A_645, %get3A_19 : vector<16xf32>
        %add3A_647 = arith.constant 1 : i32
        %add3A_648 = arith.addi %mul3A_230, %add3A_647 : i32
        %swap3A_649 = arith.constant 1 : i32
        %swap3A_650 = arith.index_cast %swap3A_649 : i32 to index
        %swap3A_651 = arith.index_cast %add3A_648 : i32 to index
        %swap3A_652 = arith.constant 48 : index
        %swap3A_653 = tpu.vector_load %arg10[%swap3A_650, %swap3A_651, %swap3A_652] {strides = array<i32>} : memref<2x200x64xf32, #tpu.memory_space<vmem>>, vector<16xf32>,
        tpu.vector_store %arg10[%swap3A_650, %swap3A_651, %swap3A_652], %add3A_646 {strides = array<i32>} : memref<2x200x64xf32, #tpu.memory_space<vmem>>, vector<16xf32>,
        %mul3A_654 = arith.mulf %add3A_347, %rsqrt3A_558 : vector<16xf32>
        %sub3A_655 = arith.subf %mul3A_654, %mul3A_565 : vector<16xf32>
        %mul3A_656 = arith.mulf %sub3A_655, %get3A_5 : vector<16xf32>
        %add3A_657 = arith.addf %mul3A_656, %get3A_13 : vector<16xf32>
        %add3A_658 = arith.constant 2 : i32
        %add3A_659 = arith.addi %mul3A_230, %add3A_658 : i32
        %swap3A_660 = arith.constant 1 : i32
        %swap3A_661 = arith.index_cast %swap3A_660 : i32 to index
        %swap3A_662 = arith.index_cast %add3A_659 : i32 to index
        %swap3A_663 = arith.constant 0 : index
        %swap3A_664 = tpu.vector_load %arg10[%swap3A_661, %swap3A_662, %swap3A_663] {strides = array<i32>} : memref<2x200x64xf32, #tpu.memory_space<vmem>>, vector<16xf32>,
        tpu.vector_store %arg10[%swap3A_661, %swap3A_662, %swap3A_663], %add3A_657 {strides = array<i32>} : memref<2x200x64xf32, #tpu.memory_space<vmem>>, vector<16xf32>,
        %mul3A_665 = arith.mulf %add3A_360, %rsqrt3A_558 : vector<16xf32>
        %sub3A_666 = arith.subf %mul3A_665, %mul3A_565 : vector<16xf32>
        %mul3A_667 = arith.mulf %sub3A_666, %get3A_7 : vector<16xf32>
        %add3A_668 = arith.addf %mul3A_667, %get3A_15 : vector<16xf32>
        %add3A_669 = arith.constant 2 : i32
        %add3A_670 = arith.addi %mul3A_230, %add3A_669 : i32
        %swap3A_671 = arith.constant 1 : i32
        %swap3A_672 = arith.index_cast %swap3A_671 : i32 to index
        %swap3A_673 = arith.index_cast %add3A_670 : i32 to index
        %swap3A_674 = arith.constant 16 : index
        %swap3A_675 = tpu.vector_load %arg10[%swap3A_672, %swap3A_673, %swap3A_674] {strides = array<i32>} : memref<2x200x64xf32, #tpu.memory_space<vmem>>, vector<16xf32>,
        tpu.vector_store %arg10[%swap3A_672, %swap3A_673, %swap3A_674], %add3A_668 {strides = array<i32>} : memref<2x200x64xf32, #tpu.memory_space<vmem>>, vector<16xf32>,
        %mul3A_676 = arith.mulf %add3A_373, %rsqrt3A_558 : vector<16xf32>
        %sub3A_677 = arith.subf %mul3A_676, %mul3A_565 : vector<16xf32>
        %mul3A_678 = arith.mulf %sub3A_677, %get3A_9 : vector<16xf32>
        %add3A_679 = arith.addf %mul3A_678, %get3A_17 : vector<16xf32>
        %add3A_680 = arith.constant 2 : i32
        %add3A_681 = arith.addi %mul3A_230, %add3A_680 : i32
        %swap3A_682 = arith.constant 1 : i32
        %swap3A_683 = arith.index_cast %swap3A_682 : i32 to index
        %swap3A_684 = arith.index_cast %add3A_681 : i32 to index
        %swap3A_685 = arith.constant 32 : index
        %swap3A_686 = tpu.vector_load %arg10[%swap3A_683, %swap3A_684, %swap3A_685] {strides = array<i32>} : memref<2x200x64xf32, #tpu.memory_space<vmem>>, vector<16xf32>,
        tpu.vector_store %arg10[%swap3A_683, %swap3A_684, %swap3A_685], %add3A_679 {strides = array<i32>} : memref<2x200x64xf32, #tpu.memory_space<vmem>>, vector<16xf32>,
        %mul3A_687 = arith.mulf %add3A_386, %rsqrt3A_558 : vector<16xf32>
        %sub3A_688 = arith.subf %mul3A_687, %mul3A_565 : vector<16xf32>
        %mul3A_689 = arith.mulf %sub3A_688, %get3A_11 : vector<16xf32>
        %add3A_690 = arith.addf %mul3A_689, %get3A_19 : vector<16xf32>
        %add3A_691 = arith.constant 2 : i32
        %add3A_692 = arith.addi %mul3A_230, %add3A_691 : i32
        %swap3A_693 = arith.constant 1 : i32
        %swap3A_694 = arith.index_cast %swap3A_693 : i32 to index
        %swap3A_695 = arith.index_cast %add3A_692 : i32 to index
        %swap3A_696 = arith.constant 48 : index
        %swap3A_697 = tpu.vector_load %arg10[%swap3A_694, %swap3A_695, %swap3A_696] {strides = array<i32>} : memref<2x200x64xf32, #tpu.memory_space<vmem>>, vector<16xf32>,
        tpu.vector_store %arg10[%swap3A_694, %swap3A_695, %swap3A_696], %add3A_690 {strides = array<i32>} : memref<2x200x64xf32, #tpu.memory_space<vmem>>, vector<16xf32>,
        %mul3A_698 = arith.mulf %add3A_399, %rsqrt3A_562 : vector<16xf32>
        %sub3A_699 = arith.subf %mul3A_698, %mul3A_566 : vector<16xf32>
        %mul3A_700 = arith.mulf %sub3A_699, %get3A_5 : vector<16xf32>
        %add3A_701 = arith.addf %mul3A_700, %get3A_13 : vector<16xf32>
        %add3A_702 = arith.constant 3 : i32
        %add3A_703 = arith.addi %mul3A_230, %add3A_702 : i32
        %swap3A_704 = arith.constant 1 : i32
        %swap3A_705 = arith.index_cast %swap3A_704 : i32 to index
        %swap3A_706 = arith.index_cast %add3A_703 : i32 to index
        %swap3A_707 = arith.constant 0 : index
        %swap3A_708 = tpu.vector_load %arg10[%swap3A_705, %swap3A_706, %swap3A_707] {strides = array<i32>} : memref<2x200x64xf32, #tpu.memory_space<vmem>>, vector<16xf32>,
        tpu.vector_store %arg10[%swap3A_705, %swap3A_706, %swap3A_707], %add3A_701 {strides = array<i32>} : memref<2x200x64xf32, #tpu.memory_space<vmem>>, vector<16xf32>,
        %mul3A_709 = arith.mulf %add3A_412, %rsqrt3A_562 : vector<16xf32>
        %sub3A_710 = arith.subf %mul3A_709, %mul3A_566 : vector<16xf32>
        %mul3A_711 = arith.mulf %sub3A_710, %get3A_7 : vector<16xf32>
        %add3A_712 = arith.addf %mul3A_711, %get3A_15 : vector<16xf32>
        %add3A_713 = arith.constant 3 : i32
        %add3A_714 = arith.addi %mul3A_230, %add3A_713 : i32
        %swap3A_715 = arith.constant 1 : i32
        %swap3A_716 = arith.index_cast %swap3A_715 : i32 to index
        %swap3A_717 = arith.index_cast %add3A_714 : i32 to index
        %swap3A_718 = arith.constant 16 : index
        %swap3A_719 = tpu.vector_load %arg10[%swap3A_716, %swap3A_717, %swap3A_718] {strides = array<i32>} : memref<2x200x64xf32, #tpu.memory_space<vmem>>, vector<16xf32>,
        tpu.vector_store %arg10[%swap3A_716, %swap3A_717, %swap3A_718], %add3A_712 {strides = array<i32>} : memref<2x200x64xf32, #tpu.memory_space<vmem>>, vector<16xf32>,
        %mul3A_720 = arith.mulf %add3A_425, %rsqrt3A_562 : vector<16xf32>
        %sub3A_721 = arith.subf %mul3A_720, %mul3A_566 : vector<16xf32>
        %mul3A_722 = arith.mulf %sub3A_721, %get3A_9 : vector<16xf32>
        %add3A_723 = arith.addf %mul3A_722, %get3A_17 : vector<16xf32>
        %add3A_724 = arith.constant 3 : i32
        %add3A_725 = arith.addi %mul3A_230, %add3A_724 : i32
        %swap3A_726 = arith.constant 1 : i32
        %swap3A_727 = arith.index_cast %swap3A_726 : i32 to index
        %swap3A_728 = arith.index_cast %add3A_725 : i32 to index
        %swap3A_729 = arith.constant 32 : index
        %swap3A_730 = tpu.vector_load %arg10[%swap3A_727, %swap3A_728, %swap3A_729] {strides = array<i32>} : memref<2x200x64xf32, #tpu.memory_space<vmem>>, vector<16xf32>,
        tpu.vector_store %arg10[%swap3A_727, %swap3A_728, %swap3A_729], %add3A_723 {strides = array<i32>} : memref<2x200x64xf32, #tpu.memory_space<vmem>>, vector<16xf32>,
        %mul3A_731 = arith.mulf %add3A_438, %rsqrt3A_562 : vector<16xf32>
        %sub3A_732 = arith.subf %mul3A_731, %mul3A_566 : vector<16xf32>
        %mul3A_733 = arith.mulf %sub3A_732, %get3A_11 : vector<16xf32>
        %add3A_734 = arith.addf %mul3A_733, %get3A_19 : vector<16xf32>
        %add3A_735 = arith.constant 3 : i32
        %add3A_736 = arith.addi %mul3A_230, %add3A_735 : i32
        %swap3A_737 = arith.constant 1 : i32
        %swap3A_738 = arith.index_cast %swap3A_737 : i32 to index
        %swap3A_739 = arith.index_cast %add3A_736 : i32 to index
        %swap3A_740 = arith.constant 48 : index
        %swap3A_741 = tpu.vector_load %arg10[%swap3A_738, %swap3A_739, %swap3A_740] {strides = array<i32>} : memref<2x200x64xf32, #tpu.memory_space<vmem>>, vector<16xf32>,
        tpu.vector_store %arg10[%swap3A_738, %swap3A_739, %swap3A_740], %add3A_734 {strides = array<i32>} : memref<2x200x64xf32, #tpu.memory_space<vmem>>, vector<16xf32>,
      }
      %scan3A_202 = arith.constant 50 : i32
      %add3A_203 = arith.addi %mul3A_4, %add3A_168 : i32
      %dma_start3A_204 = arith.constant 1 : i32
      %dma_start3A_205 = arith.constant 0 : i32
      %dma_start3A_206 = arith.constant 0 : i32
      %dma_start3A_207 = tpu.memref_slice %arg10[%dma_start3A_204, %dma_start3A_205, %dma_start3A_206] : memref<2x200x64xf32, #tpu.memory_space<vmem>> -> memref<1x200x64xf32, #tpu.memory_space<vmem>>
      %dma_start3A_208 = tpu.memref_squeeze %dma_start3A_207 : memref<1x200x64xf32, #tpu.memory_space<vmem>> -> memref<200x64xf32, #tpu.memory_space<vmem>>
      %dma_start3A_209 = arith.constant 0 : i32
      %dma_start3A_210 = arith.constant 0 : i32
      %dma_start3A_211 = tpu.memref_slice %arg7[%add3A_203, %dma_start3A_209, %dma_start3A_210] : memref<1024x200x64xf32, #tpu.memory_space<hbm>> -> memref<1x200x64xf32, #tpu.memory_space<hbm>>
      %dma_start3A_212 = tpu.memref_squeeze %dma_start3A_211 : memref<1x200x64xf32, #tpu.memory_space<hbm>> -> memref<200x64xf32, #tpu.memory_space<hbm>>
      %dma_start3A_213 = arith.constant 0 : i32
      %dma_start3A_214 = arith.constant 0 : i32
      %dma_start3A_215 = tpu.memref_slice %arg7[%add3A_203, %dma_start3A_213, %dma_start3A_214] : memref<1024x200x64xf32, #tpu.memory_space<hbm>> -> memref<1x200x64xf32, #tpu.memory_space<hbm>>
      %dma_start3A_216 = tpu.memref_squeeze %dma_start3A_215 : memref<1x200x64xf32, #tpu.memory_space<hbm>> -> memref<200x64xf32, #tpu.memory_space<hbm>>
      %dma_start3A_217 = arith.constant 0 : i32
      %dma_start3A_218 = arith.constant 0 : i32
      %dma_start3A_219 = tpu.memref_slice %arg10[%dma_start3A_204, %dma_start3A_217, %dma_start3A_218] : memref<2x200x64xf32, #tpu.memory_space<vmem>> -> memref<1x200x64xf32, #tpu.memory_space<vmem>>
      %dma_start3A_220 = tpu.memref_squeeze %dma_start3A_219 : memref<1x200x64xf32, #tpu.memory_space<vmem>> -> memref<200x64xf32, #tpu.memory_space<vmem>>
      tpu.enqueue_dma source(%dma_start3A_220 : memref<200x64xf32, #tpu.memory_space<vmem>>) target(%dma_start3A_216 : memref<200x64xf32, #tpu.memory_space<hbm>>) target_semaphore(%arg17 : memref<!tpu.dma_semaphore, #tpu.memory_space<semaphore_mem>>)
      %add3A_221 = arith.constant 2 : i32
      %add3A_222 = arith.addi %add3A_168, %add3A_221 : i32
      %lt3A_223 = arith.constant 32 : i32
      %lt3A_224 = arith.cmpi slt, %add3A_222, %lt3A_223 : i32
      %convert_element_type3A_225 = arith.extui %lt3A_224 : i1 to i32
      %cond3A_226 = arith.constant 0 : i32
      %cond3A_227 = arith.cmpi ne, %convert_element_type3A_225, %cond3A_226 : i32
      scf.if %cond3A_227 {
        %add3A_228 = arith.constant 2 : i32
        %add3A_229 = arith.addi %add3A_168, %add3A_228 : i32
        %mul3A_230 = arith.constant 200 : i32
        %mul3A_231 = arith.muli %add3A_229, %mul3A_230 : i32
        %multiple_of3A_232 = tpu.assume_multiple %mul3A_231, 8 : i32
        %dma_start3A_233 = arith.constant 1 : i32
        %dma_start3A_234 = arith.constant 0 : i32
        %dma_start3A_235 = arith.constant 0 : i32
        %dma_start3A_236 = tpu.memref_slice %arg9[%dma_start3A_233, %dma_start3A_234, %dma_start3A_235] : memref<2x200x64xf32, #tpu.memory_space<vmem>> -> memref<1x128x64xf32, #tpu.memory_space<vmem>>
        %dma_start3A_237 = tpu.memref_squeeze %dma_start3A_236 : memref<1x128x64xf32, #tpu.memory_space<vmem>> -> memref<128x64xf32, #tpu.memory_space<vmem>>
        %dma_start3A_238 = tpu.memref_slice %arg8[%multiple_of3A_232] : memref<6400xi32, #tpu.memory_space<vmem>> -> memref<128xi32, #tpu.memory_space<vmem>>
        %dma_start3A_239 = arith.constant 0 : i32
        %dma_start3A_240 = arith.constant 0 : i32
        %dma_start3A_241 = tpu.memref_slice %arg3[%dma_start3A_239, %dma_start3A_240] : memref<100000x64xf32, #tpu.memory_space<hbm>> -> memref<100000x64xf32, #tpu.memory_space<hbm>>
        tpu.enqueue_indirect_dma source(%dma_start3A_241 : memref<100000x64xf32, #tpu.memory_space<hbm>>) target(%dma_start3A_237 : memref<128x64xf32, #tpu.memory_space<vmem>>) offsets(%dma_start3A_238 : memref<128xi32, #tpu.memory_space<vmem>>) semaphore(%arg15 : memref<!tpu.dma_semaphore, #tpu.memory_space<semaphore_mem>>)
        %add3A_242 = arith.constant 128 : i32
        %add3A_243 = arith.addi %multiple_of3A_232, %add3A_242 : i32
        %dma_start3A_244 = arith.constant 1 : i32
        %dma_start3A_245 = arith.constant 128 : i32
        %dma_start3A_246 = arith.constant 0 : i32
        %dma_start3A_247 = tpu.memref_slice %arg9[%dma_start3A_244, %dma_start3A_245, %dma_start3A_246] : memref<2x200x64xf32, #tpu.memory_space<vmem>> -> memref<1x72x64xf32, #tpu.memory_space<vmem>>
        %dma_start3A_248 = tpu.memref_squeeze %dma_start3A_247 : memref<1x72x64xf32, #tpu.memory_space<vmem>> -> memref<72x64xf32, #tpu.memory_space<vmem>>
        %dma_start3A_249 = tpu.memref_slice %arg8[%add3A_243] : memref<6400xi32, #tpu.memory_space<vmem>> -> memref<72xi32, #tpu.memory_space<vmem>>
        %dma_start3A_250 = arith.constant 0 : i32
        %dma_start3A_251 = arith.constant 0 : i32
        %dma_start3A_252 = tpu.memref_slice %arg3[%dma_start3A_250, %dma_start3A_251] : memref<100000x64xf32, #tpu.memory_space<hbm>> -> memref<100000x64xf32, #tpu.memory_space<hbm>>
        tpu.enqueue_indirect_dma source(%dma_start3A_252 : memref<100000x64xf32, #tpu.memory_space<hbm>>) target(%dma_start3A_248 : memref<72x64xf32, #tpu.memory_space<vmem>>) offsets(%dma_start3A_249 : memref<72xi32, #tpu.memory_space<vmem>>) semaphore(%arg15 : memref<!tpu.dma_semaphore, #tpu.memory_space<semaphore_mem>>)
      } else {
      }
    }
    %scan3A_67 = arith.constant 16 : i32
    %add3A_68 = arith.constant 30 : i32
    %add3A_69 = arith.addi %mul3A_4, %add3A_68 : i32
    %dma_wait3A = arith.constant 0 : i32
    %dma_wait3A_70 = arith.constant 0 : i32
    %dma_wait3A_71 = arith.constant 0 : i32
    %dma_wait3A_72 = tpu.memref_slice %arg10[%dma_wait3A, %dma_wait3A_70, %dma_wait3A_71] : memref<2x200x64xf32, #tpu.memory_space<vmem>> -> memref<1x200x64xf32, #tpu.memory_space<vmem>>
    %dma_wait3A_73 = tpu.memref_squeeze %dma_wait3A_72 : memref<1x200x64xf32, #tpu.memory_space<vmem>> -> memref<200x64xf32, #tpu.memory_space<vmem>>
    %dma_wait3A_74 = arith.constant 0 : i32
    %dma_wait3A_75 = arith.constant 0 : i32
    %dma_wait3A_76 = tpu.memref_slice %arg7[%add3A_69, %dma_wait3A_74, %dma_wait3A_75] : memref<1024x200x64xf32, #tpu.memory_space<hbm>> -> memref<1x200x64xf32, #tpu.memory_space<hbm>>
    %dma_wait3A_77 = tpu.memref_squeeze %dma_wait3A_76 : memref<1x200x64xf32, #tpu.memory_space<hbm>> -> memref<200x64xf32, #tpu.memory_space<hbm>>
    %dma_wait3A_78 = arith.constant 0 : i32
    %dma_wait3A_79 = arith.constant 0 : i32
    %dma_wait3A_80 = tpu.memref_slice %arg7[%add3A_69, %dma_wait3A_78, %dma_wait3A_79] : memref<1024x200x64xf32, #tpu.memory_space<hbm>> -> memref<1x200x64xf32, #tpu.memory_space<hbm>>
    %dma_wait3A_81 = tpu.memref_squeeze %dma_wait3A_80 : memref<1x200x64xf32, #tpu.memory_space<hbm>> -> memref<200x64xf32, #tpu.memory_space<hbm>>
    %dma_wait3A_82 = arith.constant 0 : i32
    %dma_wait3A_83 = arith.constant 0 : i32
    %dma_wait3A_84 = tpu.memref_slice %arg10[%dma_wait3A, %dma_wait3A_82, %dma_wait3A_83] : memref<2x200x64xf32, #tpu.memory_space<vmem>> -> memref<1x200x64xf32, #tpu.memory_space<vmem>>
    %dma_wait3A_85 = tpu.memref_squeeze %dma_wait3A_84 : memref<1x200x64xf32, #tpu.memory_space<vmem>> -> memref<200x64xf32, #tpu.memory_space<vmem>>
    tpu.wait_dma2 semaphore(%arg16 : memref<!tpu.dma_semaphore, #tpu.memory_space<semaphore_mem>>) src(%dma_wait3A_85 : memref<200x64xf32, #tpu.memory_space<vmem>>) dst(%dma_wait3A_81 : memref<200x64xf32, #tpu.memory_space<hbm>>)
    %add3A_86 = arith.constant 31 : i32
    %add3A_87 = arith.addi %mul3A_4, %add3A_86 : i32
    %dma_wait3A_88 = arith.constant 1 : i32
    %dma_wait3A_89 = arith.constant 0 : i32
    %dma_wait3A_90 = arith.constant 0 : i32
    %dma_wait3A_91 = tpu.memref_slice %arg10[%dma_wait3A_88, %dma_wait3A_89, %dma_wait3A_90] : memref<2x200x64xf32, #tpu.memory_space<vmem>> -> memref<1x200x64xf32, #tpu.memory_space<vmem>>
    %dma_wait3A_92 = tpu.memref_squeeze %dma_wait3A_91 : memref<1x200x64xf32, #tpu.memory_space<vmem>> -> memref<200x64xf32, #tpu.memory_space<vmem>>
    %dma_wait3A_93 = arith.constant 0 : i32
    %dma_wait3A_94 = arith.constant 0 : i32
    %dma_wait3A_95 = tpu.memref_slice %arg7[%add3A_87, %dma_wait3A_93, %dma_wait3A_94] : memref<1024x200x64xf32, #tpu.memory_space<hbm>> -> memref<1x200x64xf32, #tpu.memory_space<hbm>>
    %dma_wait3A_96 = tpu.memref_squeeze %dma_wait3A_95 : memref<1x200x64xf32, #tpu.memory_space<hbm>> -> memref<200x64xf32, #tpu.memory_space<hbm>>
    %dma_wait3A_97 = arith.constant 0 : i32
    %dma_wait3A_98 = arith.constant 0 : i32
    %dma_wait3A_99 = tpu.memref_slice %arg7[%add3A_87, %dma_wait3A_97, %dma_wait3A_98] : memref<1024x200x64xf32, #tpu.memory_space<hbm>> -> memref<1x200x64xf32, #tpu.memory_space<hbm>>
    %dma_wait3A_100 = tpu.memref_squeeze %dma_wait3A_99 : memref<1x200x64xf32, #tpu.memory_space<hbm>> -> memref<200x64xf32, #tpu.memory_space<hbm>>
    %dma_wait3A_101 = arith.constant 0 : i32
    %dma_wait3A_102 = arith.constant 0 : i32
    %dma_wait3A_103 = tpu.memref_slice %arg10[%dma_wait3A_88, %dma_wait3A_101, %dma_wait3A_102] : memref<2x200x64xf32, #tpu.memory_space<vmem>> -> memref<1x200x64xf32, #tpu.memory_space<vmem>>
    %dma_wait3A_104 = tpu.memref_squeeze %dma_wait3A_103 : memref<1x200x64xf32, #tpu.memory_space<vmem>> -> memref<200x64xf32, #tpu.memory_space<vmem>>
    tpu.wait_dma2 semaphore(%arg17 : memref<!tpu.dma_semaphore, #tpu.memory_space<semaphore_mem>>) src(%dma_wait3A_104 : memref<200x64xf32, #tpu.memory_space<vmem>>) dst(%dma_wait3A_100 : memref<200x64xf32, #tpu.memory_space<hbm>>)
    return
  }
}

</mosaic_0001>

<sc_bundles>
// kernel: _kernel_impl.3.cloned.1.call-start
scs
__scs_entry_jumppad:
0x0: {  	(pc) =	sbr.rel $0x88, $3  }
0x1: {  	(tag) =	ssettag $0x0;
	lr =	simm.s32 $0x1  }
0x2: {  	[smem:$0x3F9C] =	sst lr;
	_ =	strace $0xD0000000  }
0x3: {  	_ = 	snop  }
0x4: {  	_ = 	snop  }
0x5: {  	_ = 	snop  }
0x6: {  	_ = 	snop  }
0x7: {  	_ = 	snop  }
__scs_overlays_trampoline_lowered:
0x8: {  	[smem:$0x3FAB] =	sst s0  }
0x9: {  	[smem:$0x3FAC] =	sst s1  }
0xa: {  	[smem:$0x3FAD] =	sst s2  }
0xb: {  	[smem:$0x3FAE] =	sst s3  }
0xc: {  	[smem:$0x3FAF] =	sst s4  }
0xd: {  	[smem:$0x3FB0] =	sst s5  }
0xe: {  	[smem:$0x3FB1] =	sst s6  }
0xf: {  	[smem:$0x3FB2] =	sst s7  }
0x10: {  	[smem:$0x3FB3] =	sst s8  }
0x11: {  	[smem:$0x3FB4] =	sst s9;
	s0 =	simm.s32 @!p0 $0x0  }
0x12: {  	s1 =	sld [smem:$0x3F9A];
	s0 =	simm.s32 @p0 $0x1  }
0x13: {  	[smem:$0x3FB5] =	sst s0;
	s0 =	simm.s32 @!p1 $0x0  }
0x14: {  	s2 =	sld [smem:$0x3F99];
	s0 =	simm.s32 @p1 $0x1  }
0x15: {  	[smem:$0x3FB6] =	sst s0;
	s0 =	simm.s32 @!p2 $0x0  }
0x16: {  	s3 =	sld [smem:$0x3FDB];
	s0 =	simm.s32 @p2 $0x1  }
0x17: {  	s4 =	simm.s32 $0x1BF5;
	[smem:$0x3FB8] =	sst s0  }
0x18: {  	s0 =	sld [smem:$0x3F9B];
	_ =	swait.ge [sflag:s4], $0x0  }
0x19: {  	s7 =	sld [smem:$0x3F9C]  }
0x1a: {  	s8 =	sadd.s32 $0xFFFFE003, lr  }
0x1b: {  	s9 =	sadd.s32 $0xFFFFFEF7, lr;
	s5 =	simm.s32 $0xFFFFFFFF;
	p2 =	slt.u32 s8, $0xFFFFF086  }
0x1c: {  	p1 =	slt.u32 s9, $0xF7A;
	s5 =	simm.s32 @!p2 $0x0  }
0x1d: {  	s5 =	simm.s32 @p1 $0x1;
	p0 =	seq.s32 s7, s2  }
0x1e: {  	s7 =	smul.u32 @!p0 $0xF7A, s2;
	p2 =	seq.s32 @!p0 s5, $0x0  }
0x1f: {  	s9 =	smul.u32 $0xF7A, s1;
	s8 =	simm.s32 @!p0 $0x1BF5;
	p2 =	por !p2, p0  }
0x20: {  	[sflag:s8] =	ssyncset.s32 @!p0 $0xFFFFF086;
	s6 =	sadd.s32 @!p0 s3, s7;
	s7 =	simm.s32 @!p0 $0x108  }
0x21: {  	s3 =	sadd.s32 s3, s9;
	s6 =	sadd.s32 @!p0 $0x88, s6;
	s7 =	simm.s32 @p2 $0x1082  }
0x22: {  	[simem:s7], [sflag:s8] =	dma.local @!p0 [hbm:s6], $0xF7A  }
0x23: {  	s9 =	sor.u32 $0xD0000000, s2;
	s6 =	simm.s32 $0x108;
	_ =	swait.ge @!p0 [sflag:s8], $0x0  }
0x24: {  	s3 =	sadd.s32 $0x88, s3;
	s6 =	simm.s32 @!p1 $0x1082;
	[sflag:s4] =	ssyncset.s32 $0xFFFFF086  }
0x25: {  	[simem:s6], [sflag:s4] =	dma.local [hbm:s3], $0xF7A  }
0x26: {  	[smem:$0x3F9C] =	sst s1;
	(tag) =	ssettag s2;
	_ =	strace s9  }
0x27: {  	s1 =	sld [smem:$0x3FAC]  }
0x28: {  	s2 =	sld [smem:$0x3FAD]  }
0x29: {  	s4 =	sld [smem:$0x3FAF]  }
0x2a: {  	p0 =	seq.s32 s5, $0x0;
	s5 =	sld [smem:$0x3FB0]  }
0x2b: {  	s6 =	sld [smem:$0x3FB1]  }
0x2c: {  	s7 =	sld [smem:$0x3FB2]  }
0x2d: {  	s3 =	simm.s32 $0x108;
	s8 =	sld [smem:$0x3FB3]  }
0x2e: {  	s3 =	simm.s32 @!p0 $0x1082;
	s9 =	sld [smem:$0x3FB4]  }
0x2f: {  	lr =	sadd.s32 s0, s3;
	s0 =	sld [smem:$0x3FAB]  }
0x30: {  	s3 =	sld [smem:$0x3FAE]  }
0x31: {  	[smem:$0x3FB7] =	sst s10  }
0x32: {  	s10 =	sld [smem:$0x3FB5];
	_ =	sdelay $0x3  }
0x33: {  	p0 =	seq.s32 s10, $0x1;
	s10 =	sld [smem:$0x3FB7];
	_ =	sdelay $0x3  }
0x34: {  	[smem:$0x3FB7] =	sst s10  }
0x35: {  	s10 =	sld [smem:$0x3FB6];
	_ =	sdelay $0x3  }
0x36: {  	p1 =	seq.s32 s10, $0x1;
	s10 =	sld [smem:$0x3FB7];
	_ =	sdelay $0x3  }
0x37: {  	[smem:$0x3FB7] =	sst s10  }
0x38: {  	s10 =	sld [smem:$0x3FB8]  }
0x39: {  	_ = 	snop;
	(pc) =	sbr.ind lr, $3  }
0x3a: {  	_ = 	snop  }
0x3b: {  	_ = 	snop  }
0x3c: {  	p2 =	seq.s32 s10, $0x1;
	s10 =	sld [smem:$0x3FB7]  }
0x3d: {  	_ =	shalt  }
0x3e: {  	_ =	shalt  }
0x3f: {  	_ =	shalt  }
0x40: {  	_ =	shalt  }
0x41: {  	_ =	shalt  }
0x42: {  	_ =	shalt  }
0x43: {  	_ =	shalt  }
0x44: {  	_ =	shalt  }
0x45: {  	_ =	shalt  }
0x46: {  	_ =	shalt  }
0x47: {  	_ =	shalt  }
0x48: {  	_ =	shalt  }
0x49: {  	_ =	shalt  }
0x4a: {  	_ =	shalt  }
0x4b: {  	_ =	shalt  }
0x4c: {  	_ =	shalt  }
0x4d: {  	_ =	shalt  }
0x4e: {  	_ =	shalt  }
0x4f: {  	_ =	shalt  }
0x50: {  	_ =	shalt  }
0x51: {  	_ =	shalt  }
0x52: {  	_ =	shalt  }
0x53: {  	_ =	shalt  }
0x54: {  	_ =	shalt  }
0x55: {  	_ =	shalt  }
0x56: {  	_ =	shalt  }
0x57: {  	_ =	shalt  }
0x58: {  	_ =	shalt  }
0x59: {  	_ =	shalt  }
0x5a: {  	_ =	shalt  }
0x5b: {  	_ =	shalt  }
0x5c: {  	_ =	shalt  }
0x5d: {  	_ =	shalt  }
0x5e: {  	_ =	shalt  }
0x5f: {  	_ =	shalt  }
0x60: {  	_ =	shalt  }
0x61: {  	_ =	shalt  }
0x62: {  	_ =	shalt  }
0x63: {  	_ =	shalt  }
0x64: {  	_ =	shalt  }
0x65: {  	_ =	shalt  }
0x66: {  	_ =	shalt  }
0x67: {  	_ =	shalt  }
0x68: {  	_ =	shalt  }
0x69: {  	_ =	shalt  }
0x6a: {  	_ =	shalt  }
0x6b: {  	_ =	shalt  }
0x6c: {  	_ =	shalt  }
0x6d: {  	_ =	shalt  }
0x6e: {  	_ =	shalt  }
0x6f: {  	_ =	shalt  }
0x70: {  	_ =	shalt  }
0x71: {  	_ =	shalt  }
0x72: {  	_ =	shalt  }
0x73: {  	_ =	shalt  }
0x74: {  	_ =	shalt  }
0x75: {  	_ =	shalt  }
0x76: {  	_ =	shalt  }
0x77: {  	_ =	shalt  }
0x78: {  	_ =	shalt  }
0x79: {  	_ =	shalt  }
0x7a: {  	_ =	shalt  }
0x7b: {  	_ =	shalt  }
0x7c: {  	_ =	shalt  }
0x7d: {  	_ =	shalt  }
0x7e: {  	_ =	shalt  }
0x7f: {  	_ =	shalt  }
0x80: {  	_ =	shalt  }
0x81: {  	_ =	shalt  }
0x82: {  	_ =	shalt  }
0x83: {  	_ =	shalt  }
0x84: {  	_ =	shalt  }
0x85: {  	_ =	shalt  }
0x86: {  	_ =	shalt  }
0x87: {  	_ =	shalt  }
.Lfunc_end0:
.L_simem_size_0:
called_computation.1_lowered:
.L_overlay_start_0:
0x88: {  	s2 =	sld [smem:$0x3FD9]  }
0x89: {  	s3 =	sld [smem:$0x3FFE];
	_ =	sdelay $0x1  }
0x8a: {  	s1 =	srdreg.scid  }
0x8b: {  	s0 =	sand.u32 $0x1, s1  }
0x8c: {  	s17 =	sshll.u32 s0, $0xA;
	s2 =	sadd.s32 s3, s2  }
0x8d: {  	s2 =	sadd.s32 s2, s17  }
0x8e: {  	[smem:$0x3FC3] =	sst s2  }
0x8f: {  	_ = 	snop  }
0x90: {  	s2 =	sld [smem:$0x3FC6]  }
0x91: {  	s18 =	sld [smem:$0x3FC5]  }
0x92: {  	s4 =	sld [smem:$0x3FD0];
	(tm) =	ssettm $0x1  }
0x93: {  	s5 =	sld [smem:$0x3FFB];
	_ =	sdelay $0x3  }
0x94: {  	_ =	strace s5  }
0x95: {  	s5 =	sld [smem:$0x3FFC];
	_ =	sdelay $0x3  }
0x96: {  	_ =	strace s5  }
0x97: {  	s5 =	sld [smem:$0x3FFD];
	_ =	sdelay $0x3  }
0x98: {  	_ =	strace s5  }
0x99: {  	_ =	strace $0x8FFFFFFF  }
0x9a: {  	s19 =	sld [smem:$0x3FDB];
	_ =	sdelay $0x1  }
0x9b: {  	s6 =	simm.s32 $_scs_section_size  }
0x9c: {  	s7 =	simm.s32 $_size__tile_overlayer_lowered;
	s8 =	simm.s32 $_tile_overlayer_lowered  }
0x9d: {  	s22 =	simm.s32 $0x1BFF;
	s21 =	sshll.u32 s8, $0x1;
	s5 =	sadd.s32 s6, s19  }
0x9e: {  	s9 =	simm.s32 $0x0;
	s20 =	sshll.u32 s7, $0x1;
	s7 =	sadd.s32 s21, s5  }
0x9f: {  	[timem:s9], [sflag:s22] =	dma.local [hbm:s7], s20  }
0xa0: {  	_ =	swait.ge [sflag:s22], s20  }
0xa1: {  	s6 =	ssub.s32 $0x0, s20;
	[sflag:s22] =	ssyncset.done $0x0  }
0xa2: {  	[sflag:s22] =	ssyncadd.s32 s6;
	_ =	sdelay $0x1  }
0xa3: {  	s23 =	simm.s32 $0x1B8B  }
0xa4: {  	_ =	swait.ge [sflag:s23], $0x1  }
0xa5: {  	[sflag:s23] =	ssyncset.done $0x0  }
0xa6: {  	s25 =	simm.s32 $0x1B8E;
	s24 =	sld [smem:$0x3FFE];
	[sflag:s23] =	ssyncadd.s32 $0xFFFFFFFF  }
0xa7: {  	s26 =	simm.s32 $execute0_lowered;
	[smem:$0x3FD2] =	sst s25  }
0xa8: {  	s7 =	sshll.u32 s26, $0x1;
	_ =	strace $0x80000046;
	[dreg:$0x1] =	wrdreg $0xFFFFFFFF  }
0xa9: {  	s28 =	simm.s32 $_size_execute0_lowered;
	s5 =	sadd.s32 s5, s7;
	[dreg:$0x0] =	wrdreg $0x0  }
0xaa: {  	s7 =	sshll.u32 s28, $0x1;
	[dreg:$0x2] =	wrdreg s5  }
0xab: {  	[dreg:$0x3] =	wrdreg s7  }
0xac: {  	[dreg:$0x4] =	wrdreg $0xC0  }
0xad: {  	_ =	task [dreg:s9], $0x5FFFF  }
0xae: {  	[dreg:$0x1] =	wrdreg $0xFFFFFFFF  }
0xaf: {  	[dreg:$0x0] =	wrdreg $0x60  }
0xb0: {  	[dreg:$0x2] =	wrdreg s24  }
0xb1: {  	[dreg:$0x3] =	wrdreg s2  }
0xb2: {  	[dreg:$0x4] =	wrdreg s18  }
0xb3: {  	[dreg:$0x5] =	wrdreg s4  }
0xb4: {  	[dreg:$0x6] =	wrdreg $0x9  }
0xb5: {  	_ =	task.clear_ibuf [dreg:s9], $0x7FFFF;
	_ =	strace $0x90000046  }
0xb6: {  	s29 =	simm.s32 $0x9;
	_ =	strace $0x80000048  }
0xb7: {  	_ =	swait.ge [sflag:s29], $0x1  }
0xb8: {  	[sflag:s29] =	ssyncadd.s32 $0xFFFFFFFF  }
0xb9: {  	_ =	strace $0x90000048  }
0xba: {  	_ =	sfence  }
0xbb: {  	s30 =	sld [smem:$0x0];
	_ =	sdelay $0x2  }
0xbc: {  	s31 =	sshll.u32 s1, $0xD;
	s1 =	sshrl.u32 s1, $0x2  }
0xbd: {  	s3 =	sand.u32 $0x4000, s31;
	s1 =	sadd.s32 s1, s30  }
0xbe: {  	s0 =	sor.u32 s3, s0;
	s1 =	sshll.u32 s1, $0x11  }
0xbf: {  	s0 =	sor.u32 s1, s0  }
0xc0: {  	s0 =	sadd.s32 $0x8F2B, s0  }
0xc1: {  	[sflag:s0] =	ssyncadd.remote.s32 $0x1  }
0xc2: {  	_ =	sfence.sel $0xFFFF  }
0xc3: {  	[dreg:$0x0] =	wrdreg $0xFFFFFFFF;
	(pc) =	sbr.abs _section_cstart, $3  }
0xc4: {  	[dreg:$0x1] =	wrdreg $0xFFFFFFFF  }
0xc5: {  	_ =	task.clear_ibuf [dreg:s9], $0x2FFFF;
	_ =	strace $0x9FFFFFFF  }
0xc6: {  	(tm) =	ssettm $0x7FFFFFFF  }
0xc7: {  	_ =	shalt  }
tec
execute0_lowered:
.L_overlay_start_1:
0x0: {  	(tag) =	ssettag $0x1  }
0x1: {  	s0 =	rddreg [dreg:$0x0]  }
0x2: {  	s1 =	srdreg.scid;
	s2 =	stileid.u32  }
0x3: {  	s4 =	rddreg [dreg:$0x3];
	s5 =	simm.s32 $0x0;
	s12 =	simm.s32 $0x5  }
0x4: {  	s13 =	simm.s32 $0x11300;
	s14 =	simm.s32 $0x11340;
	s15 =	simm.s32 $0x80  }
0x5: {  	s16 =	simm.s32 $0x1900;
	s17 =	simm.s32 $0x48;
	s18 =	simm.s32 $0x3900  }
0x6: {  	s19 =	simm.s32 $0xC8;
	s20 =	simm.s32 $0x4B00;
	s21 =	simm.s32 $0x148  }
0x7: {  	s22 =	simm.s32 $0x6B00;
	s23 =	simm.s32 $0x1;
	s24 =	simm.s32 $0x7D00  }
0x8: {  	s25 =	simm.s32 $0x2;
	s26 =	simm.s32 $0xAF00;
	s28 =	simm.s32 $0x3  }
0x9: {  	s29 =	simm.s32 $0x4;
	s1 =	sand.u32 $0x1, s1;
	s2 =	sshll.u32 s2, $0x1  }
.Ltmp0:
0xa: {  	s30 =	simm.s32 $0x0;
	s2 =	sor.u32 s1, s2;
	(pc) =	sbr.rel .LBB2_1-.Ltmp0, $4  }
0xb: {  	[smem:$0x7FF] =	sst s5;
	s1 =	ssub.s32 $0x2, s1;
	s3 =	smul.u32 $0x320, s2  }
0xc: {  	s6 =	sadd.s32 $0x7400, s0;
	s7 =	sadd.s32 $0x800, s0;
	s8 =	sshrl.u32 s1, $0x1  }
0xd: {  	_ =	strace $0x80000047;
	s31 =	ssub.s32 s1, s8;
	s3 =	sadd.s32 s3, s0  }
0xe: {  	s8 =	sshll.u32 s2, $0x5;
	s10 =	smax.u32 s31, $0x1;
	s9 =	sadd.s32 $0x1000, s3  }
.LBB2_8:
0xf: {  	s30 =	sadd.s32 $0x1, s30  }
0x10: {  	_ =	swait.ge [sflag:s28], $0x3200;
	p0 =	sne.s32 s30, s10  }
.Ltmp1:
0x11: {  	[sflag:s28] =	ssyncset.done $0x0;
	(pc) =	sbr.rel @!p0 .LBB2_9-.Ltmp1, $4  }
0x12: {  	[sflag:s28] =	ssyncadd.s32 $0xFFFFCE00  }
0x13: {  	_ =	swait.ge [sflag:s29], $0x3200  }
0x14: {  	[sflag:s29] =	ssyncset.done $0x0  }
0x15: {  	[sflag:s29] =	ssyncadd.s32 $0xFFFFCE00  }
.LBB2_1:
0x16: {  	s0 =	simm.s32 $0xE100  }
0x17: {  	[tilespmem:s0], [sflag:$0x5] =	stream.linear.gather [hbm4b:s7+s5], $0x3200, $0x38;
	[tilespmem:$0x11380] =	vst v63  }
0x18: {  	_ =	swait.ge [sflag:s12], $0x3200  }
0x19: {  	[sflag:s12] =	ssyncset.done $0x0  }
0x1a: {  	[sflag:s12] =	ssyncadd.s32 $0xFFFFCE00  }
0x1b: {  	s3 =	rddreg [dreg:$0x1]  }
0x1c: {  	[tilespmem:s13], [sflag:$0x5] =	stream.linear.gather [hbm4b:s3+s5], $0x40, $0x38;
	[tilespmem:$0x11380] =	vst v63  }
0x1d: {  	_ =	swait.ge [sflag:s12], $0x40  }
0x1e: {  	[sflag:s12] =	ssyncset.done $0x0  }
0x1f: {  	[sflag:s12] =	ssyncadd.s32 $0xFFFFFFC0  }
0x20: {  	s11 =	rddreg [dreg:$0x2]  }
0x21: {  	[tilespmem:s14], [sflag:$0x5] =	stream.linear.gather [hbm4b:s11+s5], $0x40, $0x38;
	[tilespmem:$0x11380] =	vst v63  }
0x22: {  	_ =	swait.ge [sflag:s12], $0x40  }
0x23: {  	[sflag:s12] =	ssyncset.done $0x0  }
0x24: {  	[sflag:s12] =	ssyncadd.s32 $0xFFFFFFC0  }
0x25: {  	[tilespmem:s5], [sflag:$0x5] =	stream.linear.gather [hbm4b:s9+s5], $0x1900, $0x38;
	[tilespmem:$0x11380] =	vst v63  }
0x26: {  	_ =	swait.ge [sflag:s12], $0x1900  }
0x27: {  	[sflag:s12] =	ssyncset.done $0x0  }
0x28: {  	[sflag:s12] =	ssyncadd.s32 $0xFFFFE700  }
0x29: {  	v0 =	vld [tilespmem:$0x11300]  }
0x2a: {  	v1 =	vld [tilespmem:$0x11310]  }
0x2b: {  	v2 =	vld [tilespmem:$0x11320]  }
0x2c: {  	v3 =	vld [tilespmem:$0x11330]  }
0x2d: {  	v4 =	vld [tilespmem:$0x11340]  }
0x2e: {  	v5 =	vld [tilespmem:$0x11350]  }
0x2f: {  	v6 =	vld [tilespmem:$0x11360]  }
0x30: {  	v7 =	vld [tilespmem:$0x11370];
	[tilespmem:s16], [sflag:$0x1] =	stream.indirect.gather [hbm4b:s6+s15], $0x40, s5, s15, $0xb8  }
0x31: {  	_ = 	snop  }
0x32: {  	[tilespmem:s18], [sflag:$0x1] =	stream.indirect.gather [hbm4b:s6+s17], $0x40, s15, s17, $0xb8;
	[tilespmem:$0x11380] =	vst v63  }
0x33: {  	_ = 	snop  }
0x34: {  	[tilespmem:s20], [sflag:$0x2] =	stream.indirect.gather [hbm4b:s6+s15], $0x40, s19, s15, $0xb8;
	[tilespmem:$0x11380] =	vst v63  }
0x35: {  	s31 =	simm.s32 $0x0  }
0x36: {  	[tilespmem:s22], [sflag:$0x2] =	stream.indirect.gather [hbm4b:s6+s17], $0x40, s21, s17, $0xb8;
	[tilespmem:$0x11380] =	vst v63  }
.LBB2_2:
0x37: {  	_ =	swait.ge [sflag:s23], $0x2000  }
0x38: {  	[sflag:s23] =	ssyncset.done $0x0  }
0x39: {  	[sflag:s23] =	ssyncadd.s32 $0xFFFFE000  }
0x3a: {  	_ =	swait.ge [sflag:s23], $0x1200  }
0x3b: {  	p0 =	seq.s32 s31, $0x0;
	[sflag:s23] =	ssyncset.done $0x0  }
0x3c: {  	s0 =	simm.s32 @!p0 $0x3;
	[sflag:s23] =	ssyncadd.s32 $0xFFFFEE00  }
0x3d: {  	_ =	swait.ge @!p0 [sflag:s0], $0x3200  }
0x3e: {  	[sflag:s0] =	ssyncset.done @!p0 $0x0  }
0x3f: {  	[sflag:s0] =	ssyncadd.s32 @!p0 $0xFFFFCE00;
	s0 =	simm.s32 $0x0  }
0x40: {  	v8 =	vld [tilespmem:s0+$0x19C0]  }
0x41: {  	v9 =	vld [tilespmem:s0+$0xE1C0]  }
0x42: {  	v10 =	vld [tilespmem:s0+$0x19D0]  }
0x43: {  	v11 =	vld [tilespmem:s0+$0xE1D0]  }
0x44: {  	v12 =	vld [tilespmem:s0+$0x19E0]  }
0x45: {  	v13 =	vld [tilespmem:s0+$0xE1E0]  }
0x46: {  	v14 =	vld [tilespmem:s0+$0x19F0]  }
0x47: {  	v15 =	vld [tilespmem:s0+$0xE1F0];
	_ =	sdelay $0x1  }
0x48: {  	v16 =	vld [tilespmem:s0+$0x1900]  }
0x49: {  	v17 =	vld [tilespmem:s0+$0xE100]  }
0x4a: {  	v18 =	vld [tilespmem:s0+$0x1910];
	v8 =	vadd.f32 v9, v8;
	v20 =	vadd.f32 v11, v10  }
0x4b: {  	v19 =	vld [tilespmem:s0+$0xE110];
	v25 =	vadd.f32 v13, v12;
	v22 =	vadd.f32 v15, v14  }
0x4c: {  	v23 =	vld [tilespmem:s0+$0xE130];
	v11 =	vadd.f32 v20, v8  }
0x4d: {  	v26 =	vld [tilespmem:s0+$0x1940];
	v13 =	vadd.f32 v22, v25;
	v14 =	vmul.f32 v8, v8;
	v15 =	vmul.f32 v20, v20  }
0x4e: {  	v9 =	vld [tilespmem:s0+$0x1920];
	v21 =	vmul.f32 v25, v25;
	v24 =	vmul.f32 v22, v22  }
0x4f: {  	v10 =	vld [tilespmem:s0+$0xE120];
	v11 =	vadd.f32 v13, v11  }
0x50: {  	v12 =	vld [tilespmem:s0+$0x1930];
	v14 =	vadd.f32 v15, v14;
	v15 =	vadd.f32 v24, v21  }
0x51: {  	v28 =	vld [tilespmem:s0+$0xE160]  }
0x52: {  	v13 =	vld [tilespmem:s0+$0xE140];
	(xrf2) =	vadd.scan.msk.f32 $0xffff, v11;
	v11 =	vadd.f32 v15, v14  }
0x53: {  	v21 =	vadd.f32 v17, v16;
	v16 =	vld [tilespmem:s0+$0x1950]  }
0x54: {  	v17 =	vadd.f32 v19, v18;
	v24 =	vld [tilespmem:s0+$0xE150];
	(xrf2) =	vadd.scan.msk.f32 $0xffff, v11  }
0x55: {  	v18 =	vadd.f32 v10, v9;
	v19 =	vadd.f32 v23, v12;
	v12 =	vld [tilespmem:s0+$0x1970]  }
0x56: {  	v23 =	vld [tilespmem:s0+$0xE170];
	v15 =	vmul.f32 v21, v21;
	v27 =	vmul.f32 v17, v17  }
0x57: {  	v14 =	vld [tilespmem:s0+$0x1960];
	v10 =	vadd.f32 v17, v21;
	v29 =	vadd.f32 v19, v18;
	v30 =	vmul.f32 v19, v19  }
0x58: {  	v31 =	vld [tilespmem:s0+$0x1980];
	v15 =	vadd.f32 v27, v15;
	v27 =	vmul.f32 v18, v18;
	v11 =	vadd.f32 v13, v26  }
0x59: {  	v9 =	vadd.f32 v24, v16;
	v13 =	vld [tilespmem:s0+$0xE180];
	v10 =	vadd.f32 v29, v10  }
0x5a: {  	v24 =	vld [tilespmem:s0+$0x1990];
	v16 =	vadd.f32 v30, v27  }
0x5b: {  	v26 =	vld [tilespmem:s0+$0xE190];
	v12 =	vadd.f32 v23, v12;
	v27 =	vmul.f32 v11, v11;
	v29 =	vmul.f32 v9, v9;
	(xrf2) =	vadd.scan.msk.f32 $0xffff, v10  }
0x5c: {  	v23 =	vld [tilespmem:s0+$0xE1A0];
	v10 =	vadd.f32 v28, v14;
	v15 =	vadd.f32 v16, v15;
	v14, _, _ =	vpop (xrf2)  }
0x5d: {  	v28 =	vadd.f32 v9, v11;
	v16 =	vld [tilespmem:s0+$0x19A0];
	v27 =	vadd.f32 v29, v27;
	v29 =	vmul.f32 $1.562500000e-02, v14  }
0x5e: {  	v33 =	vmul.f32 v12, v12;
	v30 =	vadd.f32 v12, v10;
	(xrf2) =	vadd.scan.msk.f32 $0xffff, v15;
	v14 =	vmul.f32 v10, v10;
	v34, _, _ =	vpop (xrf2)  }
0x5f: {  	v32 =	vld [tilespmem:s0+$0xE1B0];
	v13 =	vadd.f32 v13, v31;
	v31 =	vmul.f32 $1.562500000e-02, v34;
	v60 =	vmul.f32 v29, v29  }
0x60: {  	v28 =	vadd.f32 v30, v28;
	v15 =	vld [tilespmem:s0+$0x19B0];
	v30 =	vadd.f32 v33, v14  }
0x61: {  	v14 =	vadd.f32 v26, v24;
	v24 =	vsub.f32 v31, v60  }
0x62: {  	v16 =	vadd.f32 v23, v16  }
0x63: {  	(xrf2) =	vadd.scan.msk.f32 $0xffff, v28;
	v23 =	vadd.f32 v30, v27;
	v24 =	vadd.f32 $9.999999740e-06, v24  }
0x64: {  	v27 =	vmul.f32 v14, v14  }
0x65: {  	v15 =	vadd.f32 v32, v15;
	v31, _, _ =	vpop (xrf2);
	(xrf2) =	vadd.scan.msk.f32 $0xffff, v23;
	v24 =	vbroadcast v24, $0xF  }
0x66: {  	v26 =	vmul.f32 v13, v13;
	v28 =	vadd.f32 v14, v13  }
0x67: {  	v32 =	vadd.f32 v15, v16;
	v23 =	vmul.f32 $1.562500000e-02, v31;
	(erf) = vrsqrt.f32 v24  }
0x68: {  	v30 =	vmul.f32 v16, v16;
	v26 =	vadd.f32 v27, v26;
	v31 =	vmul.f32 v15, v15;
	v27, _, _ =	vpop (xrf2)  }
0x69: {  	v28 =	vadd.f32 v32, v28;
	v24 =	vmul.f32 v23, v23;
	v27 =	vmul.f32 $1.562500000e-02, v27  }
0x6a: {  	v30 =	vadd.f32 v31, v30  }
0x6b: {  	(xrf2) =	vadd.scan.msk.f32 $0xffff, v28;
	v24 =	vsub.f32 v27, v24  }
0x6c: {  	v26 =	vadd.f32 v30, v26  }
0x6d: {  	v24 =	vadd.f32 $9.999999740e-06, v24;
	v27, _, _ =	vpop (xrf2)  }
0x6e: {  	(xrf2) =	vadd.scan.msk.f32 $0xffff, v26;
	v26 =	vmul.f32 $1.562500000e-02, v27  }
0x6f: {  	v27 =	vbroadcast v29, $0xF;
	v24 =	vbroadcast v24, $0xF;
	v29, _, _ =	vpop (xrf2)  }
0x70: {  	v28 =	vmul.f32 v26, v26;
	v29 =	vmul.f32 $1.562500000e-02, v29;
	v30 =	vpop (erf)  }
0x71: {  	(erf) = vrsqrt.f32 v24;
	v27 =	vmul.f32 v30, v27  }
0x72: {  	v31 =	vmul.f32 v30, v22;
	v22 =	vbroadcast v26, $0xF;
	v26 =	vsub.f32 v29, v28  }
0x73: {  	v61 =	vbroadcast v23, $0xF  }
0x74: {  	s1 =	simm.s32 $0x100;
	v8 =	vmul.f32 v30, v8;
	v28 =	vsub.f32 v31, v27;
	v31 =	vadd.f32 $9.999999740e-06, v26  }
0x75: {  	v23 =	vld [tilespmem:s1+$0xE1C0];
	v20 =	vmul.f32 v30, v20;
	v30 =	vmul.f32 v30, v25;
	v29, _, _ =	vpop (xrf2)  }
0x76: {  	v24 =	vld [tilespmem:s1+$0x19C0];
	v29 =	vmul.f32 $1.562500000e-02, v29;
	v8 =	vsub.f32 v8, v27  }
0x77: {  	v25 =	vld [tilespmem:s1+$0x19D0];
	v62 =	vsub.f32 v20, v27;
	v27 =	vsub.f32 v30, v27;
	v63 =	vmul.f32 v28, v3  }
0x78: {  	v26 =	vld [tilespmem:s1+$0xE1D0];
	v35 =	vmul.f32 v29, v29;
	v30 =	vbroadcast v31, $0xF;
	v31, _, _ =	vpop (xrf2)  }
0x79: {  	v28 =	vld [tilespmem:s1+$0x19E0];
	v20 =	vbroadcast v29, $0xF;
	v36 =	vadd.f32 v63, v7;
	v31 =	vmul.f32 $1.562500000e-02, v31  }
0x7a: {  	v29 =	vld [tilespmem:s1+$0xE1E0];
	v37 =	vmul.f32 v8, v0;
	(erf) = vrsqrt.f32 v30  }
0x7b: {  	v34 =	vmul.f32 v62, v1;
	v8 =	vmul.f32 v27, v2;
	v30 =	vld [tilespmem:s1+$0x19F0];
	v27 =	vpop (erf);
	[tilespmem:s0+$0x7DF0] =	vst v36;
	v33 =	vsub.f32 v31, v35  }
0x7c: {  	s2 =	sshll.u32 s31, $0x1;
	s3 =	simm.s32 $0x800;
	v32 =	vmul.f32 v27, v61;
	v21 =	vmul.f32 v27, v21;
	v31 =	vld [tilespmem:s1+$0xE1F0];
	v35 =	vadd.f32 v37, v4  }
.LBB2_3:
0x7d: {  	p1 =	sne.s32 s3, $0xC400;
	v36 =	vld [tilespmem:s1+$0x1900];
	v33 =	vadd.f32 $9.999999740e-06, v33;
	v17 =	vmul.f32 v27, v17;
	v18 =	vmul.f32 v27, v18  }
0x7e: {  	v19 =	vmul.f32 v27, v19;
	v34 =	vadd.f32 v34, v5;
	v37 =	vld [tilespmem:s1+$0xE100];
	v21 =	vsub.f32 v21, v32;
	[tilespmem:s0+$0x7DC0] =	vst v35  }
0x7f: {  	v35 =	vld [tilespmem:s1+$0x1910];
	v33 =	vbroadcast v33, $0xF;
	v17 =	vsub.f32 v17, v32;
	v38 =	vsub.f32 v18, v32  }
0x80: {  	v24 =	vadd.f32 v23, v24;
	v23 =	vadd.f32 v26, v25;
	v18 =	vld [tilespmem:s1+$0xE110];
	v27 =	vmul.f32 v21, v0;
	[tilespmem:s0+$0x7DD0] =	vst v34  }
0x81: {  	v25 =	vadd.f32 v29, v28;
	v34 =	vld [tilespmem:s1+$0x1920];
	v26 =	vadd.f32 v31, v30;
	(erf) = vrsqrt.f32 v33  }
0x82: {  	v30 =	vadd.f32 v23, v24;
	v28 =	vmul.f32 v17, v1;
	v31 =	vsub.f32 v19, v32;
	v29 =	vld [tilespmem:s1+$0xE120]  }
0x83: {  	v39 =	vmul.f32 v23, v23;
	v33 =	vmul.f32 v24, v24;
	v19 =	vld [tilespmem:s1+$0x1930];
	v32 =	vadd.f32 v26, v25;
	v40 =	vpop (erf)  }
0x84: {  	v21 =	vadd.f32 v37, v36;
	v37 =	vmul.f32 v25, v25;
	v41 =	vmul.f32 v26, v26;
	v36 =	vld [tilespmem:s1+$0xE130]  }
0x85: {  	v22 =	vmul.f32 v40, v22;
	v17 =	vadd.f32 v18, v35;
	v35 =	vld [tilespmem:s1+$0x1940];
	v30 =	vadd.f32 v32, v30  }
0x86: {  	v33 =	vadd.f32 v39, v33;
	v42 =	vmul.f32 v21, v21;
	v37 =	vadd.f32 v41, v37;
	v32 =	vld [tilespmem:s1+$0xE140]  }
0x87: {  	v18 =	vadd.f32 v29, v34;
	v29 =	vld [tilespmem:s1+$0x1950];
	v34 =	vadd.f32 v17, v21;
	v39 =	vmul.f32 v17, v17;
	(xrf2) =	vadd.scan.msk.f32 $0xffff, v30  }
0x88: {  	v11 =	vmul.f32 v40, v11;
	v9 =	vmul.f32 v40, v9;
	v33 =	vadd.f32 v37, v33;
	v30 =	vld [tilespmem:s1+$0xE150]  }
0x89: {  	v19 =	vadd.f32 v36, v19;
	v36 =	vld [tilespmem:s1+$0x1960];
	v37 =	vadd.f32 v39, v42;
	v39 =	vmul.f32 v18, v18  }
0x8a: {  	v42 =	vmul.f32 v40, v10;
	v40 =	vmul.f32 v40, v12;
	v41 =	vld [tilespmem:s1+$0xE160];
	(xrf2) =	vadd.scan.msk.f32 $0xffff, v33;
	v33 =	vsub.f32 v11, v22;
	v12 =	vpop (erf)  }
0x8b: {  	v11 =	vadd.f32 v32, v35;
	v32 =	vld [tilespmem:s1+$0x1970];
	v10 =	vadd.f32 v19, v18;
	v35 =	vmul.f32 v19, v19  }
0x8c: {  	v44 =	vsub.f32 v9, v22;
	v20 =	vmul.f32 v12, v20;
	v13 =	vmul.f32 v12, v13;
	v43 =	vld [tilespmem:s1+$0xE170]  }
0x8d: {  	v9 =	vadd.f32 v30, v29;
	v29 =	vld [tilespmem:s1+$0x1980];
	v30 =	vadd.f32 v10, v34;
	v34 =	vmul.f32 v11, v11  }
0x8e: {  	v14 =	vmul.f32 v12, v14;
	v16 =	vmul.f32 v12, v16;
	v35 =	vadd.f32 v35, v39;
	v45 =	vld [tilespmem:s1+$0xE180]  }
0x8f: {  	v10 =	vadd.f32 v41, v36;
	v36 =	vld [tilespmem:s1+$0x1990];
	v39 =	vadd.f32 v9, v11;
	v46 =	vmul.f32 v9, v9;
	(xrf2) =	vadd.scan.msk.f32 $0xffff, v30  }
0x90: {  	v35 =	vadd.f32 v35, v37;
	v37 =	vsub.f32 v42, v22;
	v42 =	vmul.f32 v12, v15;
	v30 =	vld [tilespmem:s1+$0xE190]  }
0x91: {  	v12 =	vadd.f32 v43, v32;
	v15 =	vld [tilespmem:s1+$0x19A0];
	v32 =	vadd.f32 v46, v34;
	v34 =	vmul.f32 v10, v10;
	v41, _, _ =	vpop (xrf2)  }
0x92: {  	v22 =	vsub.f32 v40, v22;
	v43 =	vld [tilespmem:s1+$0xE1A0];
	(xrf2) =	vadd.scan.msk.f32 $0xffff, v35;
	v35 =	vmul.f32 v38, v2;
	v38 =	vsub.f32 v13, v20  }
0x93: {  	v41 =	vmul.f32 $1.562500000e-02, v41;
	v13 =	vadd.f32 v45, v29;
	v29 =	vld [tilespmem:s1+$0x19B0];
	v40 =	vadd.f32 v12, v10  }
0x94: {  	v48 =	vsub.f32 v14, v20;
	v49 =	vsub.f32 v16, v20;
	v46 =	vmul.f32 v12, v12;
	v45 =	vld [tilespmem:s1+$0xE1B0];
	v47, _, _ =	vpop (xrf2)  }
0x95: {  	v14 =	vadd.f32 v30, v36;
	v30 =	vmul.f32 $1.562500000e-02, v47;
	v36 =	vmul.f32 v41, v41  }
0x96: {  	v39 =	vadd.f32 v40, v39;
	v46 =	vadd.f32 v46, v34;
	v40 =	vmul.f32 v13, v13  }
0x97: {  	v16 =	vadd.f32 v43, v15;
	v43 =	vmul.f32 v14, v14;
	v30 =	vsub.f32 v30, v36  }
0x98: {  	v31 =	vmul.f32 v31, v3;
	v36 =	vadd.f32 v14, v13;
	v32 =	vadd.f32 v46, v32;
	(xrf2) =	vadd.scan.msk.f32 $0xffff, v39  }
0x99: {  	v15 =	vadd.f32 v45, v29;
	v29 =	vmul.f32 v16, v16;
	v30 =	vadd.f32 $9.999999740e-06, v30;
	v34, _, _ =	vpop (xrf2)  }
0x9a: {  	v20 =	vsub.f32 v42, v20;
	v39 =	vadd.f32 v43, v40;
	v34 =	vmul.f32 $1.562500000e-02, v34  }
0x9b: {  	v40 =	vadd.f32 v15, v16;
	v42 =	vmul.f32 v15, v15;
	v30 =	vbroadcast v30, $0xF;
	(xrf2) =	vadd.scan.msk.f32 $0xffff, v32  }
0x9c: {  	v27 =	vadd.f32 v27, v4;
	v32 =	vbroadcast v34, $0xF;
	v34 =	vmul.f32 v34, v34;
	v43, _, _ =	vpop (xrf2)  }
0x9d: {  	v36 =	vadd.f32 v40, v36;
	v29 =	vadd.f32 v42, v29;
	(erf) = vrsqrt.f32 v30  }
0x9e: {  	v30 =	vmul.f32 $1.562500000e-02, v43;
	[tilespmem:s0+$0x7D00] =	vst v27;
	v27 =	vadd.f32 v28, v5;
	v28 =	vmul.f32 v33, v0  }
0x9f: {  	v33 =	vmul.f32 v44, v1;
	v29 =	vadd.f32 v29, v39;
	(xrf2) =	vadd.scan.msk.f32 $0xffff, v36;
	v36 =	vmul.f32 v37, v2  }
0xa0: {  	v22 =	vmul.f32 v22, v3;
	v30 =	vsub.f32 v30, v34;
	[tilespmem:s0+$0x7D10] =	vst v27;
	v27 =	vmul.f32 v38, v0  }
0xa1: {  	v34 =	vadd.f32 v35, v6;
	v35 =	vmul.f32 v48, v1;
	v37 =	vmul.f32 v49, v2  }
0xa2: {  	v20 =	vmul.f32 v20, v3;
	v30 =	vadd.f32 $9.999999740e-06, v30;
	v38, _, _ =	vpop (xrf2);
	(xrf2) =	vadd.scan.msk.f32 $0xffff, v29;
	v29 =	vadd.f32 v31, v7  }
0xa3: {  	v28 =	vadd.f32 v28, v4;
	v33 =	vadd.f32 v33, v5;
	v31 =	vmul.f32 $1.562500000e-02, v38;
	[tilespmem:s0+$0x7D20] =	vst v34  }
0xa4: {  	v39 =	vbroadcast v30, $0xF;
	v34 =	vadd.f32 v22, v7;
	[tilespmem:s0+$0x7D30] =	vst v29;
	v29 =	vadd.f32 v36, v6  }
0xa5: {  	v27 =	vadd.f32 v27, v4;
	v22 =	vbroadcast v41, $0xF;
	v36 =	vmul.f32 v31, v31;
	v38, _, _ =	vpop (xrf2);
	[tilespmem:s0+$0x7D40] =	vst v28  }
0xa6: {  	v28 =	vmul.f32 $1.562500000e-02, v38;
	(erf) = vrsqrt.f32 v39;
	v30 =	vpop (erf);
	[tilespmem:s0+$0x7D50] =	vst v33;
	v33 =	vadd.f32 v35, v5  }
0xa7: {  	v35 =	vmul.f32 v30, v22;
	v26 =	vmul.f32 v30, v26;
	[tilespmem:s0+$0x7D60] =	vst v29;
	v29 =	vadd.f32 v37, v6  }
0xa8: {  	s11 =	sshra.s32 s3, $0x2;
	v22 =	vbroadcast v31, $0xF;
	v31 =	vmul.f32 v30, v24;
	v28 =	vsub.f32 v28, v36;
	[tilespmem:s0+$0x7D70] =	vst v34  }
0xa9: {  	v34 =	vmul.f32 v30, v23;
	v30 =	vmul.f32 v30, v25;
	v24 =	vld [tilespmem:s11+$0x19C0];
	v26 =	vsub.f32 v26, v35;
	v25, _, _ =	vpop (xrf2);
	[tilespmem:s0+$0x7D80] =	vst v27  }
0xaa: {  	v31 =	vsub.f32 v31, v35;
	v23 =	vld [tilespmem:s11+$0xE1C0];
	v27 =	vmul.f32 $1.562500000e-02, v25;
	v28 =	vadd.f32 $9.999999740e-06, v28;
	[tilespmem:s0+$0x7D90] =	vst v33  }
0xab: {  	v34 =	vsub.f32 v34, v35;
	v35 =	vsub.f32 v30, v35;
	v25 =	vld [tilespmem:s11+$0x19D0];
	v30 =	vmul.f32 v26, v3;
	[tilespmem:s0+$0x7DA0] =	vst v29  }
.Ltmp2:
0xac: {  	v37 =	vadd.f32 v20, v7;
	v26 =	vld [tilespmem:s11+$0xE1D0];
	v33 =	vmul.f32 v27, v27;
	v36 =	vbroadcast v28, $0xF;
	v29, _, _ =	vpop (xrf2);
	(pc) =	sbr.rel @p1 .LBB2_3-.Ltmp2, $4  }
0xad: {  	v20 =	vbroadcast v27, $0xF;
	v28 =	vld [tilespmem:s11+$0x19E0];
	v40 =	vmul.f32 $1.562500000e-02, v29;
	v38 =	vadd.f32 v30, v7  }
0xae: {  	v39 =	vmul.f32 v31, v0;
	v29 =	vld [tilespmem:s11+$0xE1E0];
	(erf) = vrsqrt.f32 v36;
	[tilespmem:s0+$0x7DB0] =	vst v37;
	v36 =	vadd.f32 v8, v6  }
0xaf: {  	v34 =	vmul.f32 v34, v1;
	v8 =	vmul.f32 v35, v2;
	v30 =	vld [tilespmem:s11+$0x19F0];
	v33 =	vsub.f32 v40, v33;
	[tilespmem:s1+$0x7DF0] =	vst v38;
	v27 =	vpop (erf)  }
0xb0: {  	s3 =	sadd.s32 $0x400, s3;
	v35 =	vadd.f32 v39, v4;
	v31 =	vld [tilespmem:s11+$0xE1F0];
	v32 =	vmul.f32 v27, v32;
	v21 =	vmul.f32 v27, v21;
	[tilespmem:s0+$0x7DE0] =	vst v36;
	s0 =	smov.u32 s1;
	s1 =	smov.u32 s11  }
0xb1: {  	v36 =	vld [tilespmem:s1+$0x1900]  }
0xb2: {  	v37 =	vld [tilespmem:s1+$0xE100];
	v34 =	vadd.f32 v34, v5;
	[tilespmem:s0+$0x7DC0] =	vst v35  }
0xb3: {  	v35 =	vld [tilespmem:s1+$0x1910]  }
0xb4: {  	v38 =	vld [tilespmem:s1+$0xE110];
	[tilespmem:s0+$0x7DD0] =	vst v34  }
0xb5: {  	v34 =	vld [tilespmem:s1+$0x1920]  }
0xb6: {  	v39 =	vld [tilespmem:s1+$0xE120]  }
0xb7: {  	v40 =	vld [tilespmem:s1+$0x1930]  }
0xb8: {  	v17 =	vmul.f32 v27, v17;
	v41 =	vld [tilespmem:s1+$0xE130]  }
0xb9: {  	v18 =	vmul.f32 v27, v18;
	v33 =	vadd.f32 $9.999999740e-06, v33;
	v43 =	vld [tilespmem:s1+$0x1940]  }
0xba: {  	v19 =	vmul.f32 v27, v19;
	v27 =	vadd.f32 v23, v24;
	v44 =	vsub.f32 v17, v32;
	v17 =	vld [tilespmem:s1+$0xE140]  }
0xbb: {  	v25 =	vadd.f32 v26, v25;
	v8 =	vadd.f32 v8, v6;
	v24 =	vld [tilespmem:s1+$0x1950]  }
0xbc: {  	v45 =	vsub.f32 v18, v32;
	v18 =	vadd.f32 v29, v28;
	v28 =	vld [tilespmem:s1+$0xE150]  }
0xbd: {  	v42 =	vsub.f32 v21, v32;
	v29 =	vld [tilespmem:s1+$0x1960];
	v31 =	vadd.f32 v31, v30  }
0xbe: {  	v21 =	vadd.f32 v25, v27;
	v61 =	vmul.f32 v25, v25;
	v47 =	vld [tilespmem:s1+$0xE160];
	v30 =	vmul.f32 v27, v27  }
0xbf: {  	v46 =	vsub.f32 v19, v32;
	v48 =	vld [tilespmem:s1+$0x1970];
	v62 =	vmul.f32 v18, v18;
	v19 =	vadd.f32 v31, v18  }
0xc0: {  	v32 =	vld [tilespmem:s1+$0x1990];
	v23 =	vadd.f32 v37, v36;
	v63 =	vmul.f32 v31, v31;
	v30 =	vadd.f32 v61, v30  }
0xc1: {  	v33 =	vbroadcast v33, $0xF;
	v56 =	vld [tilespmem:s1+$0xE190];
	v26 =	vadd.f32 v38, v35;
	v50 =	vadd.f32 v19, v21  }
0xc2: {  	v59 =	vld [tilespmem:s1+$0xE1A0];
	v42 =	vmul.f32 v42, v0;
	v51 =	vadd.f32 v63, v62;
	v19 =	vadd.f32 v39, v34  }
0xc3: {  	(erf) = vrsqrt.f32 v33;
	v38 =	vld [tilespmem:s1+$0xE170];
	v21 =	vadd.f32 v41, v40;
	v17 =	vadd.f32 v17, v43  }
0xc4: {  	v36 =	vld [tilespmem:s1+$0x1980];
	v52 =	vmul.f32 v23, v23;
	v24 =	vadd.f32 v28, v24;
	v53 =	vadd.f32 v26, v23  }
0xc5: {  	v34 =	vld [tilespmem:s1+$0xE180];
	v54 =	vmul.f32 v26, v26;
	v30 =	vadd.f32 v51, v30;
	v55 =	vadd.f32 v21, v19  }
0xc6: {  	v28 =	vadd.f32 v47, v29;
	v62 =	vld [tilespmem:s1+$0x19B0];
	(xrf2) =	vadd.scan.msk.f32 $0xffff, v50;
	v57 =	vmul.f32 v19, v19;
	v49 =	vmul.f32 v21, v21  }
0xc7: {  	v50 =	vld [tilespmem:s1+$0x19A0];
	v58 =	vmul.f32 v17, v17;
	v37 =	vadd.f32 v54, v52;
	(xrf2) =	vadd.scan.msk.f32 $0xffff, v30;
	v30 =	vadd.f32 v55, v53  }
0xc8: {  	v61 =	vmul.f32 v24, v24;
	v60 =	vadd.f32 v49, v57;
	v29 =	vadd.f32 v38, v48;
	v48 =	vld [tilespmem:s1+$0xE1B0]  }
0xc9: {  	v44 =	vmul.f32 v44, v1;
	v32 =	vadd.f32 v56, v32;
	v63 =	vadd.f32 v24, v17  }
0xca: {  	v52 =	vmul.f32 v28, v28;
	v35 =	vadd.f32 v61, v58;
	v51 =	vadd.f32 v60, v37;
	(xrf2) =	vadd.scan.msk.f32 $0xffff, v30  }
0xcb: {  	v53 =	vadd.f32 v29, v28;
	v54 =	vmul.f32 v29, v29;
	v30 =	vadd.f32 v34, v36;
	v55 =	vpop (erf)  }
0xcc: {  	v36 =	vmul.f32 v55, v22;
	v56 =	vmul.f32 v55, v11;
	v22 =	vadd.f32 v59, v50;
	(xrf2) =	vadd.scan.msk.f32 $0xffff, v51  }
0xcd: {  	v59 =	vmul.f32 v32, v32;
	v40 =	vadd.f32 v53, v63;
	v11 =	vadd.f32 v48, v62  }
0xce: {  	v37 =	vadd.f32 v54, v52;
	v58 =	vmul.f32 v30, v30;
	v60 =	vadd.f32 v32, v30  }
0xcf: {  	v63 =	vmul.f32 v22, v22;
	v61 =	vadd.f32 v11, v22;
	v50 =	vmul.f32 v11, v11  }
0xd0: {  	v9 =	vmul.f32 v55, v9;
	v35 =	vadd.f32 v37, v35;
	v38 =	vadd.f32 v59, v58;
	v57, _, _ =	vpop (xrf2);
	(xrf2) =	vadd.scan.msk.f32 $0xffff, v40  }
0xd1: {  	v33 =	vmul.f32 $1.562500000e-02, v57;
	v37 =	vadd.f32 v61, v60;
	v39 =	vadd.f32 v50, v63  }
0xd2: {  	v10 =	vmul.f32 v55, v10;
	v12 =	vmul.f32 v55, v12;
	v41 =	vsub.f32 v56, v36;
	v62, _, _ =	vpop (xrf2);
	(xrf2) =	vadd.scan.msk.f32 $0xffff, v35  }
0xd3: {  	v53 =	vpop (erf);
	v51 =	vmul.f32 $1.562500000e-02, v62;
	v52 =	vmul.f32 v33, v33;
	v54 =	vadd.f32 v39, v38;
	(xrf2) =	vadd.scan.msk.f32 $0xffff, v37  }
0xd4: {  	v9 =	vsub.f32 v9, v36;
	v59 =	vmul.f32 v45, v2;
	v20 =	vmul.f32 v53, v20;
	v56, _, _ =	vpop (xrf2)  }
0xd5: {  	v13 =	vmul.f32 v53, v13;
	v40 =	vsub.f32 v51, v52;
	v57 =	vmul.f32 $1.562500000e-02, v56;
	(xrf2) =	vadd.scan.msk.f32 $0xffff, v54  }
0xd6: {  	v10 =	vsub.f32 v10, v36;
	v14 =	vmul.f32 v53, v14;
	v16 =	vmul.f32 v53, v16;
	v58, _, _ =	vpop (xrf2)  }
0xd7: {  	v55 =	vadd.f32 $9.999999740e-06, v40;
	v60 =	vmul.f32 v57, v57;
	v35 =	vmul.f32 $1.562500000e-02, v58  }
0xd8: {  	v12 =	vsub.f32 v12, v36;
	v15 =	vmul.f32 v53, v15;
	v9 =	vmul.f32 v9, v1  }
0xd9: {  	v10 =	vmul.f32 v10, v2;
	v37 =	vbroadcast v55, $0xF;
	v35 =	vsub.f32 v35, v60  }
0xda: {  	v12 =	vmul.f32 v12, v3;
	v13 =	vsub.f32 v13, v20;
	v14 =	vsub.f32 v14, v20;
	v62, _, _ =	vpop (xrf2)  }
0xdb: {  	(erf) = vrsqrt.f32 v37;
	v35 =	vadd.f32 $9.999999740e-06, v35;
	v36 =	vmul.f32 $1.562500000e-02, v62  }
0xdc: {  	v61 =	vmul.f32 v46, v3;
	v16 =	vsub.f32 v16, v20;
	v15 =	vsub.f32 v15, v20;
	v20, _, _ =	vpop (xrf2)  }
0xdd: {  	v48 =	vadd.f32 v44, v5;
	v35 =	vbroadcast v35, $0xF;
	v46 =	vmul.f32 v36, v36;
	v47, _, _ =	vpop (xrf2)  }
0xde: {  	v45 =	vadd.f32 v42, v4;
	v20 =	vmul.f32 $1.562500000e-02, v20;
	v42 =	vmul.f32 $1.562500000e-02, v47  }
0xdf: {  	v63 =	vmul.f32 v41, v0;
	v9 =	vadd.f32 v9, v5;
	(erf) = vrsqrt.f32 v35;
	v49, _, _ =	vpop (xrf2)  }
0xe0: {  	v20 =	vsub.f32 v20, v46;
	v50 =	vmul.f32 v42, v42;
	v35 =	vmul.f32 $1.562500000e-02, v49  }
0xe1: {  	v10 =	vadd.f32 v10, v6;
	v12 =	vadd.f32 v12, v7;
	v13 =	vmul.f32 v13, v0  }
0xe2: {  	v14 =	vmul.f32 v14, v1;
	v20 =	vadd.f32 $9.999999740e-06, v20;
	v35 =	vsub.f32 v35, v50  }
0xe3: {  	v38 =	vadd.f32 v59, v6;
	v16 =	vmul.f32 v16, v2;
	v33 =	vbroadcast v33, $0xF  }
0xe4: {  	v15 =	vmul.f32 v15, v3;
	v20 =	vbroadcast v20, $0xF;
	v51 =	vpop (erf);
	v35 =	vadd.f32 $9.999999740e-06, v35  }
0xe5: {  	v39 =	vadd.f32 v61, v7;
	v33 =	vmul.f32 v51, v33;
	v31 =	vmul.f32 v51, v31  }
0xe6: {  	[tilespmem:s0+$0x7D10] =	vst v48;
	v13 =	vadd.f32 v13, v4;
	(erf) = vrsqrt.f32 v20;
	v20 =	vbroadcast v35, $0xF  }
0xe7: {  	[tilespmem:s0+$0x7D00] =	vst v45;
	v14 =	vadd.f32 v14, v5;
	v16 =	vadd.f32 v16, v6;
	v34 =	vbroadcast v57, $0xF  }
0xe8: {  	[tilespmem:s0+$0x7D50] =	vst v9;
	v52 =	vbroadcast v36, $0xF;
	v53 =	vbroadcast v42, $0xF;
	v31 =	vsub.f32 v31, v33  }
0xe9: {  	[tilespmem:s0+$0x7D60] =	vst v10;
	v9 =	vadd.f32 v15, v7;
	v27 =	vmul.f32 v51, v27;
	v25 =	vmul.f32 v51, v25  }
0xea: {  	[tilespmem:s0+$0x7D70] =	vst v12;
	v37 =	vadd.f32 v63, v4;
	(erf) = vrsqrt.f32 v20;
	v31 =	vmul.f32 v31, v3;
	v20 =	vpop (erf)  }
0xeb: {  	[tilespmem:s0+$0x7D20] =	vst v38;
	v25 =	vsub.f32 v25, v33;
	v34 =	vmul.f32 v20, v34;
	v15 =	vmul.f32 v20, v23  }
0xec: {  	[tilespmem:s0+$0x7D30] =	vst v39;
	v18 =	vmul.f32 v51, v18;
	v27 =	vsub.f32 v27, v33;
	v23 =	vmul.f32 v20, v26  }
0xed: {  	[tilespmem:s0+$0x7D80] =	vst v13;
	v12 =	vmul.f32 v25, v1;
	v10 =	vadd.f32 v31, v7;
	v15 =	vsub.f32 v15, v34  }
0xee: {  	[tilespmem:s0+$0x7D90] =	vst v14;
	v26 =	vmul.f32 v27, v0;
	v19 =	vmul.f32 v20, v19;
	v23 =	vsub.f32 v23, v34  }
0xef: {  	[tilespmem:s0+$0x7DA0] =	vst v16;
	v20 =	vmul.f32 v20, v21;
	v12 =	vadd.f32 v12, v5;
	v21 =	vpop (erf);
	v14 =	vmul.f32 v15, v0  }
0xf0: {  	[tilespmem:s0+$0x7DB0] =	vst v9;
	v16 =	vsub.f32 v19, v34;
	v15 =	vmul.f32 v23, v1;
	v19 =	vmul.f32 v21, v52  }
0xf1: {  	[tilespmem:s0+$0x7D40] =	vst v37;
	v9 =	vsub.f32 v20, v34;
	v17 =	vmul.f32 v21, v17;
	v20 =	vmul.f32 v21, v24  }
0xf2: {  	v13 =	vadd.f32 v26, v4;
	[tilespmem:s1+$0x7DF0] =	vst v10;
	v23 =	vmul.f32 v21, v28;
	v16 =	vmul.f32 v16, v2  }
0xf3: {  	[tilespmem:s0+$0x7DE0] =	vst v8;
	v9 =	vmul.f32 v9, v3;
	v10 =	vsub.f32 v17, v19;
	v8 =	vsub.f32 v20, v19  }
0xf4: {  	[tilespmem:s1+$0x7DD0] =	vst v12;
	v24 =	vpop (erf);
	v17 =	vmul.f32 v21, v29;
	v14 =	vadd.f32 v14, v4;
	v12 =	vsub.f32 v23, v19  }
0xf5: {  	v15 =	vadd.f32 v15, v5;
	v21 =	vmul.f32 v24, v53;
	v20 =	vmul.f32 v24, v30  }
0xf6: {  	[tilespmem:s1+$0x7DC0] =	vst v13;
	v9 =	vadd.f32 v9, v7;
	v25 =	vmul.f32 v24, v32;
	v13 =	vmul.f32 v24, v22  }
0xf7: {  	v11 =	vmul.f32 v24, v11;
	[tilespmem:s1+$0x7D00] =	vst v14;
	v10 =	vmul.f32 v10, v0;
	v14 =	vadd.f32 v16, v6  }
0xf8: {  	v16 =	vsub.f32 v17, v19;
	v8 =	vmul.f32 v8, v1;
	[tilespmem:s1+$0x7D10] =	vst v15;
	v15 =	vsub.f32 v20, v21  }
0xf9: {  	v12 =	vmul.f32 v12, v2;
	[tilespmem:s1+$0x7D30] =	vst v9;
	v9 =	vsub.f32 v13, v21;
	v10 =	vadd.f32 v10, v4  }
0xfa: {  	[tilespmem:s1+$0x7D20] =	vst v14;
	v14 =	vsub.f32 v25, v21;
	v16 =	vmul.f32 v16, v3;
	v8 =	vadd.f32 v8, v5  }
0xfb: {  	v12 =	vadd.f32 v12, v6;
	v13 =	vmul.f32 v15, v0;
	v9 =	vmul.f32 v9, v2;
	[tilespmem:s1+$0x7D40] =	vst v10  }
0xfc: {  	v10 =	vsub.f32 v11, v21;
	v11 =	vmul.f32 v14, v1;
	v14 =	vadd.f32 v16, v7;
	[tilespmem:s1+$0x7D50] =	vst v8  }
0xfd: {  	v8 =	vsub.f32 v18, v33;
	[tilespmem:s1+$0x7D60] =	vst v12;
	v13 =	vadd.f32 v13, v4  }
0xfe: {  	v9 =	vadd.f32 v9, v6;
	v10 =	vmul.f32 v10, v3;
	[tilespmem:s1+$0x7D70] =	vst v14  }
0xff: {  	v11 =	vadd.f32 v11, v5;
	v8 =	vmul.f32 v8, v2;
	[tilespmem:s1+$0x7D80] =	vst v13  }
0x100: {  	s11 =	sadd.s32 s8, s2;
	[tilespmem:s1+$0x7DA0] =	vst v9;
	v10 =	vadd.f32 v10, v7  }
0x101: {  	s0 =	smul.u32 $0x640, s11;
	[tilespmem:s1+$0x7D90] =	vst v11;
	v8 =	vadd.f32 v8, v6  }
0x102: {  	p1 =	seq.s32 s31, $0xF;
	[tilespmem:s1+$0x7DB0] =	vst v10  }
0x103: {  	s0 =	sadd.s32 s4, s0;
	[tilespmem:s1+$0x7DE0] =	vst v8;
	s1 =	smul.u32 @!p1 $0x640, s31  }
0x104: {  	[hbm4b:s0+s5] =	stream.linear.scatter [tilespmem:s24], [sflag:$0x3], $0x3200, $0x38;
	[tilespmem:$0x11380] =	vst v63  }
0x105: {  	s0 =	sshra.s32 @!p1 s1, $0x2  }
0x106: {  	s3 =	simm.s32 @!p1 $0x80;
	s11 =	simm.s32 @!p1 $0x1900;
	s1 =	sadd.s32 @!p1 $0x190, s0  }
0x107: {  	[tilespmem:s11], [sflag:$0x1] =	stream.indirect.gather @!p1 [hbm4b:s6+s3], $0x40, s1, s3, $0xb8;
	[tilespmem:$0x11380] =	vst v63  }
0x108: {  	s0 =	sadd.s32 @!p1 $0x210, s0;
	s1 =	simm.s32 @!p1 $0x48;
	s3 =	simm.s32 @!p1 $0x3900  }
0x109: {  	[tilespmem:s3], [sflag:$0x1] =	stream.indirect.gather @!p1 [hbm4b:s6+s1], $0x40, s0, s1, $0xb8;
	[tilespmem:$0x11380] =	vst v63  }
0x10a: {  	_ =	swait.ge [sflag:s25], $0x2000  }
0x10b: {  	[sflag:s25] =	ssyncset.done $0x0  }
0x10c: {  	[sflag:s25] =	ssyncadd.s32 $0xFFFFE000  }
0x10d: {  	_ =	swait.ge [sflag:s25], $0x1200  }
0x10e: {  	[sflag:s25] =	ssyncset.done $0x0  }
0x10f: {  	s0 =	simm.s32 @!p0 $0x4;
	[sflag:s25] =	ssyncadd.s32 $0xFFFFEE00  }
0x110: {  	_ =	swait.ge @!p0 [sflag:s0], $0x3200  }
0x111: {  	[sflag:s0] =	ssyncset.done @!p0 $0x0  }
0x112: {  	[sflag:s0] =	ssyncadd.s32 @!p0 $0xFFFFCE00;
	s0 =	simm.s32 $0x0  }
0x113: {  	v8 =	vld [tilespmem:s0+$0x4BC0]  }
0x114: {  	v9 =	vld [tilespmem:s0+$0xE1C0]  }
0x115: {  	v10 =	vld [tilespmem:s0+$0x4BD0]  }
0x116: {  	v11 =	vld [tilespmem:s0+$0xE1D0]  }
0x117: {  	v12 =	vld [tilespmem:s0+$0x4BE0]  }
0x118: {  	v13 =	vld [tilespmem:s0+$0xE1E0]  }
0x119: {  	v14 =	vld [tilespmem:s0+$0x4BF0]  }
0x11a: {  	v15 =	vld [tilespmem:s0+$0xE1F0];
	_ =	sdelay $0x1  }
0x11b: {  	v16 =	vld [tilespmem:s0+$0x4B00]  }
0x11c: {  	v17 =	vld [tilespmem:s0+$0xE100]  }
0x11d: {  	v18 =	vld [tilespmem:s0+$0x4B10];
	v8 =	vadd.f32 v9, v8;
	v20 =	vadd.f32 v11, v10  }
0x11e: {  	v19 =	vld [tilespmem:s0+$0xE110];
	v25 =	vadd.f32 v13, v12;
	v22 =	vadd.f32 v15, v14  }
0x11f: {  	v23 =	vld [tilespmem:s0+$0xE130];
	v11 =	vadd.f32 v20, v8  }
0x120: {  	v26 =	vld [tilespmem:s0+$0x4B40];
	v13 =	vadd.f32 v22, v25;
	v14 =	vmul.f32 v8, v8;
	v15 =	vmul.f32 v20, v20  }
0x121: {  	v9 =	vld [tilespmem:s0+$0x4B20];
	v21 =	vmul.f32 v25, v25;
	v24 =	vmul.f32 v22, v22  }
0x122: {  	v10 =	vld [tilespmem:s0+$0xE120];
	v11 =	vadd.f32 v13, v11  }
0x123: {  	v12 =	vld [tilespmem:s0+$0x4B30];
	v14 =	vadd.f32 v15, v14;
	v15 =	vadd.f32 v24, v21  }
0x124: {  	v28 =	vld [tilespmem:s0+$0xE160]  }
0x125: {  	v13 =	vld [tilespmem:s0+$0xE140];
	(xrf2) =	vadd.scan.msk.f32 $0xffff, v11;
	v11 =	vadd.f32 v15, v14  }
0x126: {  	v21 =	vadd.f32 v17, v16;
	v16 =	vld [tilespmem:s0+$0x4B50]  }
0x127: {  	v17 =	vadd.f32 v19, v18;
	v24 =	vld [tilespmem:s0+$0xE150];
	(xrf2) =	vadd.scan.msk.f32 $0xffff, v11  }
0x128: {  	v18 =	vadd.f32 v10, v9;
	v19 =	vadd.f32 v23, v12;
	v12 =	vld [tilespmem:s0+$0x4B70]  }
0x129: {  	v23 =	vld [tilespmem:s0+$0xE170];
	v15 =	vmul.f32 v21, v21;
	v27 =	vmul.f32 v17, v17  }
0x12a: {  	v14 =	vld [tilespmem:s0+$0x4B60];
	v10 =	vadd.f32 v17, v21;
	v29 =	vadd.f32 v19, v18;
	v30 =	vmul.f32 v19, v19  }
0x12b: {  	v31 =	vld [tilespmem:s0+$0x4B80];
	v15 =	vadd.f32 v27, v15;
	v27 =	vmul.f32 v18, v18;
	v11 =	vadd.f32 v13, v26  }
0x12c: {  	v9 =	vadd.f32 v24, v16;
	v13 =	vld [tilespmem:s0+$0xE180];
	v10 =	vadd.f32 v29, v10  }
0x12d: {  	v24 =	vld [tilespmem:s0+$0x4B90];
	v16 =	vadd.f32 v30, v27  }
0x12e: {  	v26 =	vld [tilespmem:s0+$0xE190];
	v12 =	vadd.f32 v23, v12;
	v27 =	vmul.f32 v11, v11;
	v29 =	vmul.f32 v9, v9;
	(xrf2) =	vadd.scan.msk.f32 $0xffff, v10  }
0x12f: {  	v23 =	vld [tilespmem:s0+$0xE1A0];
	v10 =	vadd.f32 v28, v14;
	v15 =	vadd.f32 v16, v15;
	v14, _, _ =	vpop (xrf2)  }
0x130: {  	v28 =	vadd.f32 v9, v11;
	v16 =	vld [tilespmem:s0+$0x4BA0];
	v27 =	vadd.f32 v29, v27;
	v29 =	vmul.f32 $1.562500000e-02, v14  }
0x131: {  	v55 =	vmul.f32 v12, v12;
	v30 =	vadd.f32 v12, v10;
	(xrf2) =	vadd.scan.msk.f32 $0xffff, v15;
	v14 =	vmul.f32 v10, v10;
	v56, _, _ =	vpop (xrf2)  }
0x132: {  	v54 =	vld [tilespmem:s0+$0xE1B0];
	v13 =	vadd.f32 v13, v31;
	v31 =	vmul.f32 $1.562500000e-02, v56;
	v57 =	vmul.f32 v29, v29  }
0x133: {  	v28 =	vadd.f32 v30, v28;
	v15 =	vld [tilespmem:s0+$0x4BB0];
	v30 =	vadd.f32 v55, v14  }
0x134: {  	v14 =	vadd.f32 v26, v24;
	v24 =	vsub.f32 v31, v57  }
0x135: {  	v16 =	vadd.f32 v23, v16  }
0x136: {  	(xrf2) =	vadd.scan.msk.f32 $0xffff, v28;
	v23 =	vadd.f32 v30, v27;
	v24 =	vadd.f32 $9.999999740e-06, v24  }
0x137: {  	v27 =	vmul.f32 v14, v14  }
0x138: {  	v15 =	vadd.f32 v54, v15;
	v31, _, _ =	vpop (xrf2);
	(xrf2) =	vadd.scan.msk.f32 $0xffff, v23;
	v24 =	vbroadcast v24, $0xF  }
0x139: {  	v26 =	vmul.f32 v13, v13;
	v28 =	vadd.f32 v14, v13  }
0x13a: {  	v32 =	vadd.f32 v15, v16;
	v23 =	vmul.f32 $1.562500000e-02, v31;
	(erf) = vrsqrt.f32 v24  }
0x13b: {  	v30 =	vmul.f32 v16, v16;
	v26 =	vadd.f32 v27, v26;
	v31 =	vmul.f32 v15, v15;
	v27, _, _ =	vpop (xrf2)  }
0x13c: {  	v28 =	vadd.f32 v32, v28;
	v24 =	vmul.f32 v23, v23;
	v27 =	vmul.f32 $1.562500000e-02, v27  }
0x13d: {  	v30 =	vadd.f32 v31, v30  }
0x13e: {  	(xrf2) =	vadd.scan.msk.f32 $0xffff, v28;
	v24 =	vsub.f32 v27, v24  }
0x13f: {  	v26 =	vadd.f32 v30, v26  }
0x140: {  	v24 =	vadd.f32 $9.999999740e-06, v24;
	v27, _, _ =	vpop (xrf2)  }
0x141: {  	(xrf2) =	vadd.scan.msk.f32 $0xffff, v26;
	v26 =	vmul.f32 $1.562500000e-02, v27  }
0x142: {  	v27 =	vbroadcast v29, $0xF;
	v24 =	vbroadcast v24, $0xF;
	v29, _, _ =	vpop (xrf2)  }
0x143: {  	v28 =	vmul.f32 v26, v26;
	v29 =	vmul.f32 $1.562500000e-02, v29;
	v30 =	vpop (erf)  }
0x144: {  	(erf) = vrsqrt.f32 v24;
	v27 =	vmul.f32 v30, v27  }
0x145: {  	v31 =	vmul.f32 v30, v22;
	v22 =	vbroadcast v26, $0xF;
	v26 =	vsub.f32 v29, v28  }
0x146: {  	v58 =	vbroadcast v23, $0xF  }
0x147: {  	s1 =	simm.s32 $0x100;
	v8 =	vmul.f32 v30, v8;
	v28 =	vsub.f32 v31, v27;
	v31 =	vadd.f32 $9.999999740e-06, v26  }
0x148: {  	v23 =	vld [tilespmem:s1+$0xE1C0];
	v20 =	vmul.f32 v30, v20;
	v30 =	vmul.f32 v30, v25;
	v29, _, _ =	vpop (xrf2)  }
0x149: {  	v24 =	vld [tilespmem:s1+$0x4BC0];
	v29 =	vmul.f32 $1.562500000e-02, v29;
	v8 =	vsub.f32 v8, v27  }
0x14a: {  	v25 =	vld [tilespmem:s1+$0x4BD0];
	v59 =	vsub.f32 v20, v27;
	v27 =	vsub.f32 v30, v27;
	v60 =	vmul.f32 v28, v3  }
0x14b: {  	v26 =	vld [tilespmem:s1+$0xE1D0];
	v61 =	vmul.f32 v29, v29;
	v30 =	vbroadcast v31, $0xF;
	v31, _, _ =	vpop (xrf2)  }
0x14c: {  	v28 =	vld [tilespmem:s1+$0x4BE0];
	v20 =	vbroadcast v29, $0xF;
	v62 =	vadd.f32 v60, v7;
	v31 =	vmul.f32 $1.562500000e-02, v31  }
0x14d: {  	v29 =	vld [tilespmem:s1+$0xE1E0];
	v63 =	vmul.f32 v8, v0;
	(erf) = vrsqrt.f32 v30  }
0x14e: {  	v34 =	vmul.f32 v59, v1;
	v8 =	vmul.f32 v27, v2;
	v30 =	vld [tilespmem:s1+$0x4BF0];
	v27 =	vpop (erf);
	[tilespmem:s0+$0xAFF0] =	vst v62;
	v33 =	vsub.f32 v31, v61  }
0x14f: {  	s2 =	sor.u32 $0x1, s2;
	s3 =	simm.s32 $0x800;
	v35 =	vadd.f32 v63, v4;
	v32 =	vmul.f32 v27, v58;
	v21 =	vmul.f32 v27, v21;
	v31 =	vld [tilespmem:s1+$0xE1F0]  }
.LBB2_5:
0x150: {  	p0 =	sne.s32 s3, $0xC400;
	v36 =	vld [tilespmem:s1+$0x4B00];
	v33 =	vadd.f32 $9.999999740e-06, v33;
	v17 =	vmul.f32 v27, v17;
	v18 =	vmul.f32 v27, v18  }
0x151: {  	v19 =	vmul.f32 v27, v19;
	v34 =	vadd.f32 v34, v5;
	v37 =	vld [tilespmem:s1+$0xE100];
	v21 =	vsub.f32 v21, v32;
	[tilespmem:s0+$0xAFC0] =	vst v35  }
0x152: {  	v35 =	vld [tilespmem:s1+$0x4B10];
	v33 =	vbroadcast v33, $0xF;
	v17 =	vsub.f32 v17, v32;
	v38 =	vsub.f32 v18, v32  }
0x153: {  	v24 =	vadd.f32 v23, v24;
	v23 =	vadd.f32 v26, v25;
	v18 =	vld [tilespmem:s1+$0xE110];
	v27 =	vmul.f32 v21, v0;
	[tilespmem:s0+$0xAFD0] =	vst v34  }
0x154: {  	v25 =	vadd.f32 v29, v28;
	v34 =	vld [tilespmem:s1+$0x4B20];
	v26 =	vadd.f32 v31, v30;
	(erf) = vrsqrt.f32 v33  }
0x155: {  	v30 =	vadd.f32 v23, v24;
	v28 =	vmul.f32 v17, v1;
	v31 =	vsub.f32 v19, v32;
	v29 =	vld [tilespmem:s1+$0xE120]  }
0x156: {  	v39 =	vmul.f32 v23, v23;
	v33 =	vmul.f32 v24, v24;
	v19 =	vld [tilespmem:s1+$0x4B30];
	v32 =	vadd.f32 v26, v25;
	v40 =	vpop (erf)  }
0x157: {  	v21 =	vadd.f32 v37, v36;
	v37 =	vmul.f32 v25, v25;
	v41 =	vmul.f32 v26, v26;
	v36 =	vld [tilespmem:s1+$0xE130]  }
0x158: {  	v22 =	vmul.f32 v40, v22;
	v17 =	vadd.f32 v18, v35;
	v35 =	vld [tilespmem:s1+$0x4B40];
	v30 =	vadd.f32 v32, v30  }
0x159: {  	v33 =	vadd.f32 v39, v33;
	v42 =	vmul.f32 v21, v21;
	v37 =	vadd.f32 v41, v37;
	v32 =	vld [tilespmem:s1+$0xE140]  }
0x15a: {  	v18 =	vadd.f32 v29, v34;
	v29 =	vld [tilespmem:s1+$0x4B50];
	v34 =	vadd.f32 v17, v21;
	v39 =	vmul.f32 v17, v17;
	(xrf2) =	vadd.scan.msk.f32 $0xffff, v30  }
0x15b: {  	v11 =	vmul.f32 v40, v11;
	v9 =	vmul.f32 v40, v9;
	v33 =	vadd.f32 v37, v33;
	v30 =	vld [tilespmem:s1+$0xE150]  }
0x15c: {  	v19 =	vadd.f32 v36, v19;
	v36 =	vld [tilespmem:s1+$0x4B60];
	v37 =	vadd.f32 v39, v42;
	v39 =	vmul.f32 v18, v18  }
0x15d: {  	v42 =	vmul.f32 v40, v10;
	v40 =	vmul.f32 v40, v12;
	v41 =	vld [tilespmem:s1+$0xE160];
	(xrf2) =	vadd.scan.msk.f32 $0xffff, v33;
	v33 =	vsub.f32 v11, v22;
	v12 =	vpop (erf)  }
0x15e: {  	v11 =	vadd.f32 v32, v35;
	v32 =	vld [tilespmem:s1+$0x4B70];
	v10 =	vadd.f32 v19, v18;
	v35 =	vmul.f32 v19, v19  }
0x15f: {  	v44 =	vsub.f32 v9, v22;
	v20 =	vmul.f32 v12, v20;
	v13 =	vmul.f32 v12, v13;
	v43 =	vld [tilespmem:s1+$0xE170]  }
0x160: {  	v9 =	vadd.f32 v30, v29;
	v29 =	vld [tilespmem:s1+$0x4B80];
	v30 =	vadd.f32 v10, v34;
	v34 =	vmul.f32 v11, v11  }
0x161: {  	v14 =	vmul.f32 v12, v14;
	v16 =	vmul.f32 v12, v16;
	v35 =	vadd.f32 v35, v39;
	v45 =	vld [tilespmem:s1+$0xE180]  }
0x162: {  	v10 =	vadd.f32 v41, v36;
	v36 =	vld [tilespmem:s1+$0x4B90];
	v39 =	vadd.f32 v9, v11;
	v46 =	vmul.f32 v9, v9;
	(xrf2) =	vadd.scan.msk.f32 $0xffff, v30  }
0x163: {  	v35 =	vadd.f32 v35, v37;
	v37 =	vsub.f32 v42, v22;
	v42 =	vmul.f32 v12, v15;
	v30 =	vld [tilespmem:s1+$0xE190]  }
0x164: {  	v12 =	vadd.f32 v43, v32;
	v15 =	vld [tilespmem:s1+$0x4BA0];
	v32 =	vadd.f32 v46, v34;
	v34 =	vmul.f32 v10, v10;
	v41, _, _ =	vpop (xrf2)  }
0x165: {  	v22 =	vsub.f32 v40, v22;
	v43 =	vld [tilespmem:s1+$0xE1A0];
	(xrf2) =	vadd.scan.msk.f32 $0xffff, v35;
	v35 =	vmul.f32 v38, v2;
	v38 =	vsub.f32 v13, v20  }
0x166: {  	v41 =	vmul.f32 $1.562500000e-02, v41;
	v13 =	vadd.f32 v45, v29;
	v29 =	vld [tilespmem:s1+$0x4BB0];
	v40 =	vadd.f32 v12, v10  }
0x167: {  	v48 =	vsub.f32 v14, v20;
	v49 =	vsub.f32 v16, v20;
	v46 =	vmul.f32 v12, v12;
	v45 =	vld [tilespmem:s1+$0xE1B0];
	v47, _, _ =	vpop (xrf2)  }
0x168: {  	v14 =	vadd.f32 v30, v36;
	v30 =	vmul.f32 $1.562500000e-02, v47;
	v36 =	vmul.f32 v41, v41  }
0x169: {  	v39 =	vadd.f32 v40, v39;
	v46 =	vadd.f32 v46, v34;
	v40 =	vmul.f32 v13, v13  }
0x16a: {  	v16 =	vadd.f32 v43, v15;
	v43 =	vmul.f32 v14, v14;
	v30 =	vsub.f32 v30, v36  }
0x16b: {  	v31 =	vmul.f32 v31, v3;
	v36 =	vadd.f32 v14, v13;
	v32 =	vadd.f32 v46, v32;
	(xrf2) =	vadd.scan.msk.f32 $0xffff, v39  }
0x16c: {  	v15 =	vadd.f32 v45, v29;
	v29 =	vmul.f32 v16, v16;
	v30 =	vadd.f32 $9.999999740e-06, v30;
	v34, _, _ =	vpop (xrf2)  }
0x16d: {  	v20 =	vsub.f32 v42, v20;
	v39 =	vadd.f32 v43, v40;
	v34 =	vmul.f32 $1.562500000e-02, v34  }
0x16e: {  	v40 =	vadd.f32 v15, v16;
	v42 =	vmul.f32 v15, v15;
	v30 =	vbroadcast v30, $0xF;
	(xrf2) =	vadd.scan.msk.f32 $0xffff, v32  }
0x16f: {  	v27 =	vadd.f32 v27, v4;
	v32 =	vbroadcast v34, $0xF;
	v34 =	vmul.f32 v34, v34;
	v43, _, _ =	vpop (xrf2)  }
0x170: {  	v36 =	vadd.f32 v40, v36;
	v29 =	vadd.f32 v42, v29;
	(erf) = vrsqrt.f32 v30  }
0x171: {  	v30 =	vmul.f32 $1.562500000e-02, v43;
	[tilespmem:s0+$0xAF00] =	vst v27;
	v27 =	vadd.f32 v28, v5;
	v28 =	vmul.f32 v33, v0  }
0x172: {  	v33 =	vmul.f32 v44, v1;
	v29 =	vadd.f32 v29, v39;
	(xrf2) =	vadd.scan.msk.f32 $0xffff, v36;
	v36 =	vmul.f32 v37, v2  }
0x173: {  	v22 =	vmul.f32 v22, v3;
	v30 =	vsub.f32 v30, v34;
	[tilespmem:s0+$0xAF10] =	vst v27;
	v27 =	vmul.f32 v38, v0  }
0x174: {  	v34 =	vadd.f32 v35, v6;
	v35 =	vmul.f32 v48, v1;
	v37 =	vmul.f32 v49, v2  }
0x175: {  	v20 =	vmul.f32 v20, v3;
	v30 =	vadd.f32 $9.999999740e-06, v30;
	v38, _, _ =	vpop (xrf2);
	(xrf2) =	vadd.scan.msk.f32 $0xffff, v29;
	v29 =	vadd.f32 v31, v7  }
0x176: {  	v28 =	vadd.f32 v28, v4;
	v33 =	vadd.f32 v33, v5;
	v31 =	vmul.f32 $1.562500000e-02, v38;
	[tilespmem:s0+$0xAF20] =	vst v34  }
0x177: {  	v39 =	vbroadcast v30, $0xF;
	v34 =	vadd.f32 v22, v7;
	[tilespmem:s0+$0xAF30] =	vst v29;
	v29 =	vadd.f32 v36, v6  }
0x178: {  	v27 =	vadd.f32 v27, v4;
	v22 =	vbroadcast v41, $0xF;
	v36 =	vmul.f32 v31, v31;
	v38, _, _ =	vpop (xrf2);
	[tilespmem:s0+$0xAF40] =	vst v28  }
0x179: {  	v28 =	vmul.f32 $1.562500000e-02, v38;
	(erf) = vrsqrt.f32 v39;
	v30 =	vpop (erf);
	[tilespmem:s0+$0xAF50] =	vst v33;
	v33 =	vadd.f32 v35, v5  }
0x17a: {  	v35 =	vmul.f32 v30, v22;
	v26 =	vmul.f32 v30, v26;
	[tilespmem:s0+$0xAF60] =	vst v29;
	v29 =	vadd.f32 v37, v6  }
0x17b: {  	s11 =	sshra.s32 s3, $0x2;
	v22 =	vbroadcast v31, $0xF;
	v31 =	vmul.f32 v30, v24;
	v28 =	vsub.f32 v28, v36;
	[tilespmem:s0+$0xAF70] =	vst v34  }
0x17c: {  	v34 =	vmul.f32 v30, v23;
	v30 =	vmul.f32 v30, v25;
	v24 =	vld [tilespmem:s11+$0x4BC0];
	v26 =	vsub.f32 v26, v35;
	v25, _, _ =	vpop (xrf2);
	[tilespmem:s0+$0xAF80] =	vst v27  }
0x17d: {  	v31 =	vsub.f32 v31, v35;
	v23 =	vld [tilespmem:s11+$0xE1C0];
	v27 =	vmul.f32 $1.562500000e-02, v25;
	v28 =	vadd.f32 $9.999999740e-06, v28;
	[tilespmem:s0+$0xAF90] =	vst v33  }
0x17e: {  	v34 =	vsub.f32 v34, v35;
	v35 =	vsub.f32 v30, v35;
	v25 =	vld [tilespmem:s11+$0x4BD0];
	v30 =	vmul.f32 v26, v3;
	[tilespmem:s0+$0xAFA0] =	vst v29  }
.Ltmp3:
0x17f: {  	v37 =	vadd.f32 v20, v7;
	v26 =	vld [tilespmem:s11+$0xE1D0];
	v33 =	vmul.f32 v27, v27;
	v36 =	vbroadcast v28, $0xF;
	v29, _, _ =	vpop (xrf2);
	(pc) =	sbr.rel @p0 .LBB2_5-.Ltmp3, $4  }
0x180: {  	v20 =	vbroadcast v27, $0xF;
	v28 =	vld [tilespmem:s11+$0x4BE0];
	v40 =	vmul.f32 $1.562500000e-02, v29;
	v38 =	vadd.f32 v30, v7  }
0x181: {  	v39 =	vmul.f32 v31, v0;
	v29 =	vld [tilespmem:s11+$0xE1E0];
	(erf) = vrsqrt.f32 v36;
	[tilespmem:s0+$0xAFB0] =	vst v37;
	v36 =	vadd.f32 v8, v6  }
0x182: {  	v34 =	vmul.f32 v34, v1;
	v8 =	vmul.f32 v35, v2;
	v30 =	vld [tilespmem:s11+$0x4BF0];
	v33 =	vsub.f32 v40, v33;
	[tilespmem:s1+$0xAFF0] =	vst v38;
	v27 =	vpop (erf)  }
0x183: {  	s3 =	sadd.s32 $0x400, s3;
	v35 =	vadd.f32 v39, v4;
	v31 =	vld [tilespmem:s11+$0xE1F0];
	v32 =	vmul.f32 v27, v32;
	v21 =	vmul.f32 v27, v21;
	[tilespmem:s0+$0xAFE0] =	vst v36;
	s0 =	smov.u32 s1;
	s1 =	smov.u32 s11  }
0x184: {  	v36 =	vld [tilespmem:s1+$0x4B00]  }
0x185: {  	v37 =	vld [tilespmem:s1+$0xE100];
	v34 =	vadd.f32 v34, v5;
	[tilespmem:s0+$0xAFC0] =	vst v35  }
0x186: {  	v35 =	vld [tilespmem:s1+$0x4B10]  }
0x187: {  	v38 =	vld [tilespmem:s1+$0xE110];
	[tilespmem:s0+$0xAFD0] =	vst v34  }
0x188: {  	v34 =	vld [tilespmem:s1+$0x4B20]  }
0x189: {  	v39 =	vld [tilespmem:s1+$0xE120]  }
0x18a: {  	v40 =	vld [tilespmem:s1+$0x4B30]  }
0x18b: {  	v17 =	vmul.f32 v27, v17;
	v18 =	vmul.f32 v27, v18;
	v33 =	vadd.f32 $9.999999740e-06, v33;
	v41 =	vld [tilespmem:s1+$0xE130]  }
0x18c: {  	v19 =	vmul.f32 v27, v19;
	v27 =	vadd.f32 v23, v24;
	v25 =	vadd.f32 v26, v25;
	v43 =	vld [tilespmem:s1+$0x4B40]  }
0x18d: {  	v42 =	vsub.f32 v21, v32;
	v44 =	vsub.f32 v17, v32;
	v56 =	vld [tilespmem:s1+$0xE140]  }
0x18e: {  	v45 =	vsub.f32 v18, v32;
	v18 =	vadd.f32 v29, v28;
	v24 =	vld [tilespmem:s1+$0x4B50]  }
0x18f: {  	v60 =	vmul.f32 v27, v27;
	v61 =	vmul.f32 v25, v25;
	v57 =	vld [tilespmem:s1+$0xE150];
	v31 =	vadd.f32 v31, v30  }
0x190: {  	v58 =	vadd.f32 v25, v27;
	v46 =	vsub.f32 v19, v32;
	v29 =	vld [tilespmem:s1+$0x4B60];
	v62 =	vmul.f32 v18, v18  }
0x191: {  	v47 =	vld [tilespmem:s1+$0xE160];
	v30 =	vadd.f32 v61, v60;
	v59 =	vadd.f32 v31, v18;
	v63 =	vmul.f32 v31, v31  }
0x192: {  	v48 =	vld [tilespmem:s1+$0x4B70];
	v23 =	vadd.f32 v37, v36;
	v26 =	vadd.f32 v38, v35  }
0x193: {  	v33 =	vbroadcast v33, $0xF;
	v32 =	vld [tilespmem:s1+$0x4B90];
	v50 =	vadd.f32 v59, v58;
	v51 =	vadd.f32 v63, v62  }
0x194: {  	v36 =	vld [tilespmem:s1+$0x4B80];
	v19 =	vadd.f32 v39, v34;
	v21 =	vadd.f32 v41, v40  }
0x195: {  	(erf) = vrsqrt.f32 v33;
	v38 =	vld [tilespmem:s1+$0xE170];
	v17 =	vadd.f32 v56, v43;
	v24 =	vadd.f32 v57, v24  }
0x196: {  	v52 =	vmul.f32 v23, v23;
	v34 =	vld [tilespmem:s1+$0xE180];
	v28 =	vadd.f32 v47, v29;
	v53 =	vadd.f32 v26, v23  }
0x197: {  	v41 =	vld [tilespmem:s1+$0xE190];
	v54 =	vmul.f32 v26, v26;
	v30 =	vadd.f32 v51, v30;
	v56 =	vmul.f32 v19, v19  }
0x198: {  	v55 =	vadd.f32 v21, v19;
	v49 =	vmul.f32 v21, v21;
	v58 =	vmul.f32 v17, v17  }
0x199: {  	v59 =	vld [tilespmem:s1+$0xE1A0];
	v61 =	vmul.f32 v24, v24;
	v63 =	vadd.f32 v24, v17;
	v37 =	vadd.f32 v54, v52  }
0x19a: {  	v42 =	vmul.f32 v42, v0;
	v62 =	vld [tilespmem:s1+$0x4BB0];
	(xrf2) =	vadd.scan.msk.f32 $0xffff, v50;
	v57 =	vadd.f32 v55, v53;
	v60 =	vadd.f32 v49, v56  }
0x19b: {  	v44 =	vmul.f32 v44, v1;
	v50 =	vld [tilespmem:s1+$0x4BA0];
	v29 =	vadd.f32 v38, v48;
	v35 =	vadd.f32 v61, v58  }
0x19c: {  	v52 =	vld [tilespmem:s1+$0xE1B0];
	v54 =	vmul.f32 v28, v28;
	(xrf2) =	vadd.scan.msk.f32 $0xffff, v30;
	v30 =	vadd.f32 v34, v36;
	v32 =	vadd.f32 v41, v32  }
0x19d: {  	v49 =	vadd.f32 v42, v4;
	v55 =	vadd.f32 v29, v28;
	v56 =	vmul.f32 v29, v29  }
0x19e: {  	v53 =	vadd.f32 v60, v37;
	(xrf2) =	vadd.scan.msk.f32 $0xffff, v57;
	v60 =	vmul.f32 v30, v30;
	v61 =	vmul.f32 v32, v32;
	v57 =	vpop (erf)  }
0x19f: {  	v40 =	vadd.f32 v55, v63;
	v37 =	vadd.f32 v56, v54;
	v36 =	vmul.f32 v57, v22  }
0x1a0: {  	(xrf2) =	vadd.scan.msk.f32 $0xffff, v53;
	v58 =	vmul.f32 v57, v11;
	v22 =	vadd.f32 v59, v50;
	v9 =	vmul.f32 v57, v9  }
0x1a1: {  	v11 =	vadd.f32 v52, v62;
	v10 =	vmul.f32 v57, v10;
	v12 =	vmul.f32 v57, v12;
	v57 =	vpop (erf)  }
0x1a2: {  	v62 =	vadd.f32 v32, v30;
	v38 =	vadd.f32 v61, v60;
	v20 =	vmul.f32 v57, v20  }
0x1a3: {  	v63 =	vadd.f32 v11, v22;
	v53 =	vmul.f32 v22, v22;
	v54 =	vmul.f32 v11, v11  }
0x1a4: {  	v35 =	vadd.f32 v37, v35;
	v13 =	vmul.f32 v57, v13;
	v14 =	vmul.f32 v57, v14;
	v59, _, _ =	vpop (xrf2);
	(xrf2) =	vadd.scan.msk.f32 $0xffff, v40  }
0x1a5: {  	v33 =	vmul.f32 $1.562500000e-02, v59;
	v37 =	vadd.f32 v63, v62;
	v39 =	vadd.f32 v54, v53  }
0x1a6: {  	v16 =	vmul.f32 v57, v16;
	v41 =	vsub.f32 v58, v36;
	v9 =	vsub.f32 v9, v36;
	v52, _, _ =	vpop (xrf2);
	(xrf2) =	vadd.scan.msk.f32 $0xffff, v35  }
0x1a7: {  	v55 =	vmul.f32 $1.562500000e-02, v52;
	v56 =	vmul.f32 v33, v33;
	v58 =	vadd.f32 v39, v38;
	(xrf2) =	vadd.scan.msk.f32 $0xffff, v37  }
0x1a8: {  	v15 =	vmul.f32 v57, v15;
	v10 =	vsub.f32 v10, v36;
	v12 =	vsub.f32 v12, v36;
	v60, _, _ =	vpop (xrf2)  }
0x1a9: {  	v13 =	vsub.f32 v13, v20;
	v40 =	vsub.f32 v55, v56;
	v61 =	vmul.f32 $1.562500000e-02, v60;
	(xrf2) =	vadd.scan.msk.f32 $0xffff, v58  }
0x1aa: {  	v14 =	vsub.f32 v14, v20;
	v63 =	vmul.f32 v45, v2;
	v45 =	vmul.f32 v46, v3;
	v62, _, _ =	vpop (xrf2)  }
0x1ab: {  	v59 =	vadd.f32 $9.999999740e-06, v40;
	v43 =	vmul.f32 v61, v61;
	v35 =	vmul.f32 $1.562500000e-02, v62  }
0x1ac: {  	v16 =	vsub.f32 v16, v20;
	v47 =	vmul.f32 v41, v0;
	v9 =	vmul.f32 v9, v1  }
0x1ad: {  	v10 =	vmul.f32 v10, v2;
	v37 =	vbroadcast v59, $0xF;
	v35 =	vsub.f32 v35, v43  }
0x1ae: {  	v15 =	vsub.f32 v15, v20;
	v12 =	vmul.f32 v12, v3;
	v13 =	vmul.f32 v13, v0;
	v46, _, _ =	vpop (xrf2)  }
0x1af: {  	(erf) = vrsqrt.f32 v37;
	v35 =	vadd.f32 $9.999999740e-06, v35;
	v36 =	vmul.f32 $1.562500000e-02, v46  }
0x1b0: {  	v14 =	vmul.f32 v14, v1;
	v16 =	vmul.f32 v16, v2;
	v52 =	vadd.f32 v44, v5;
	v48, _, _ =	vpop (xrf2)  }
0x1b1: {  	v38 =	vadd.f32 v63, v6;
	v35 =	vbroadcast v35, $0xF;
	v50 =	vmul.f32 v36, v36;
	v51, _, _ =	vpop (xrf2)  }
0x1b2: {  	v39 =	vadd.f32 v45, v7;
	v20 =	vmul.f32 $1.562500000e-02, v48;
	v42 =	vmul.f32 $1.562500000e-02, v51  }
0x1b3: {  	v9 =	vadd.f32 v9, v5;
	v10 =	vadd.f32 v10, v6;
	(erf) = vrsqrt.f32 v35;
	v53, _, _ =	vpop (xrf2)  }
0x1b4: {  	v20 =	vsub.f32 v20, v50;
	v54 =	vmul.f32 v42, v42;
	v35 =	vmul.f32 $1.562500000e-02, v53  }
0x1b5: {  	v15 =	vmul.f32 v15, v3;
	v12 =	vadd.f32 v12, v7;
	v13 =	vadd.f32 v13, v4  }
0x1b6: {  	v33 =	vbroadcast v33, $0xF;
	v20 =	vadd.f32 $9.999999740e-06, v20;
	v35 =	vsub.f32 v35, v54  }
0x1b7: {  	v14 =	vadd.f32 v14, v5;
	v34 =	vbroadcast v61, $0xF;
	v57 =	vbroadcast v36, $0xF  }
0x1b8: {  	v59 =	vbroadcast v42, $0xF;
	v20 =	vbroadcast v20, $0xF;
	v55 =	vpop (erf);
	v35 =	vadd.f32 $9.999999740e-06, v35  }
0x1b9: {  	[tilespmem:s0+$0xAF00] =	vst v49;
	v16 =	vadd.f32 v16, v6;
	v33 =	vmul.f32 v55, v33;
	v31 =	vmul.f32 v55, v31  }
0x1ba: {  	[tilespmem:s0+$0xAF10] =	vst v52;
	v60 =	vadd.f32 v15, v7;
	(erf) = vrsqrt.f32 v20;
	v56 =	vbroadcast v35, $0xF  }
0x1bb: {  	[tilespmem:s0+$0xAF20] =	vst v38;
	v27 =	vmul.f32 v55, v27;
	v25 =	vmul.f32 v55, v25;
	v31 =	vsub.f32 v31, v33  }
0x1bc: {  	[tilespmem:s0+$0xAF30] =	vst v39;
	v37 =	vadd.f32 v47, v4;
	v18 =	vmul.f32 v55, v18;
	(erf) = vrsqrt.f32 v56;
	v58 =	vpop (erf)  }
0x1bd: {  	[tilespmem:s0+$0xAF50] =	vst v9;
	v27 =	vsub.f32 v27, v33;
	v31 =	vmul.f32 v31, v3;
	v34 =	vmul.f32 v58, v34  }
0x1be: {  	[tilespmem:s0+$0xAF60] =	vst v10;
	v25 =	vsub.f32 v25, v33;
	v61 =	vmul.f32 v58, v23;
	v62 =	vmul.f32 v58, v26  }
0x1bf: {  	[tilespmem:s0+$0xAF70] =	vst v12;
	v19 =	vmul.f32 v58, v19;
	v20 =	vmul.f32 v58, v21;
	v63 =	vadd.f32 v31, v7  }
0x1c0: {  	[tilespmem:s0+$0xAF40] =	vst v37;
	v37 =	vmul.f32 v25, v1;
	v15 =	vsub.f32 v61, v34;
	v23 =	vsub.f32 v62, v34  }
0x1c1: {  	[tilespmem:s0+$0xAF80] =	vst v13;
	v31 =	vmul.f32 v27, v0;
	v42 =	vsub.f32 v19, v34;
	v44 =	vsub.f32 v20, v34  }
0x1c2: {  	v8 =	vadd.f32 v8, v6;
	[tilespmem:s0+$0xAF90] =	vst v14;
	v39 =	vmul.f32 v15, v0;
	v40 =	vmul.f32 v23, v1  }
0x1c3: {  	[tilespmem:s0+$0xAFA0] =	vst v16;
	v12 =	vadd.f32 v37, v5;
	v16 =	vmul.f32 v42, v2;
	v9 =	vmul.f32 v44, v3;
	v41 =	vpop (erf)  }
0x1c4: {  	[tilespmem:s0+$0xAFB0] =	vst v60;
	v38 =	vadd.f32 v31, v4;
	v43 =	vmul.f32 v41, v57;
	v17 =	vmul.f32 v41, v17  }
0x1c5: {  	[tilespmem:s1+$0xAFF0] =	vst v63;
	v45 =	vmul.f32 v41, v24;
	v46 =	vmul.f32 v41, v28;
	v14 =	vadd.f32 v39, v4  }
0x1c6: {  	[tilespmem:s0+$0xAFE0] =	vst v8;
	v49 =	vmul.f32 v41, v29;
	v15 =	vadd.f32 v40, v5;
	v55 =	vadd.f32 v16, v6;
	v47 =	vpop (erf)  }
0x1c7: {  	[tilespmem:s1+$0xAFC0] =	vst v38;
	v9 =	vadd.f32 v9, v7;
	v48 =	vsub.f32 v17, v43;
	v50 =	vmul.f32 v47, v59  }
0x1c8: {  	[tilespmem:s1+$0xAFD0] =	vst v12;
	v8 =	vsub.f32 v45, v43;
	v51 =	vmul.f32 v47, v30;
	v52 =	vmul.f32 v47, v32  }
0x1c9: {  	v54 =	vsub.f32 v46, v43;
	[tilespmem:s1+$0xAF00] =	vst v14;
	v53 =	vmul.f32 v47, v22;
	v10 =	vmul.f32 v48, v0  }
0x1ca: {  	v56 =	vsub.f32 v49, v43;
	[tilespmem:s1+$0xAF10] =	vst v15;
	v11 =	vmul.f32 v47, v11;
	v8 =	vmul.f32 v8, v1  }
0x1cb: {  	[tilespmem:s1+$0xAF20] =	vst v55;
	v12 =	vmul.f32 v54, v2;
	v57 =	vsub.f32 v51, v50;
	v10 =	vadd.f32 v10, v4  }
0x1cc: {  	[tilespmem:s1+$0xAF30] =	vst v9;
	v16 =	vmul.f32 v56, v3;
	v58 =	vsub.f32 v52, v50;
	v8 =	vadd.f32 v8, v5  }
0x1cd: {  	v59 =	vsub.f32 v53, v50;
	v12 =	vadd.f32 v12, v6;
	v60 =	vmul.f32 v57, v0;
	[tilespmem:s1+$0xAF40] =	vst v10  }
0x1ce: {  	v61 =	vsub.f32 v11, v50;
	v63 =	vadd.f32 v16, v7;
	v62 =	vmul.f32 v58, v1;
	[tilespmem:s1+$0xAF50] =	vst v8  }
0x1cf: {  	v9 =	vmul.f32 v59, v2;
	v8 =	vsub.f32 v18, v33;
	[tilespmem:s1+$0xAF60] =	vst v12;
	v13 =	vadd.f32 v60, v4  }
0x1d0: {  	v10 =	vmul.f32 v61, v3;
	[tilespmem:s1+$0xAF70] =	vst v63;
	v11 =	vadd.f32 v62, v5  }
0x1d1: {  	v9 =	vadd.f32 v9, v6;
	v8 =	vmul.f32 v8, v2;
	[tilespmem:s1+$0xAF80] =	vst v13  }
.Ltmp4:
0x1d2: {  	s11 =	sadd.s32 s8, s2;
	v10 =	vadd.f32 v10, v7;
	[tilespmem:s1+$0xAF90] =	vst v11;
	(pc) =	sbr.rel @p1 .LBB2_8-.Ltmp4, $4  }
0x1d3: {  	s0 =	smul.u32 $0x640, s11;
	[tilespmem:s1+$0xAFA0] =	vst v9;
	v8 =	vadd.f32 v8, v6  }
0x1d4: {  	[tilespmem:s1+$0xAFB0] =	vst v10  }
0x1d5: {  	s0 =	sadd.s32 s4, s0;
	[tilespmem:s1+$0xAFE0] =	vst v8  }
0x1d6: {  	[hbm4b:s0+s5] =	stream.linear.scatter [tilespmem:s26], [sflag:$0x4], $0x3200, $0x38;
	[tilespmem:$0x11380] =	vst v63  }
0x1d7: {  	s0 =	smul.u32 $0x640, s31;
	_ =	sdelay $0x1  }
.Ltmp5:
0x1d8: {  	s0 =	sshra.s32 s0, $0x2;
	(pc) =	sbr.rel .LBB2_2-.Ltmp5, $4  }
0x1d9: {  	s1 =	sadd.s32 $0x258, s0  }
0x1da: {  	[tilespmem:s20], [sflag:$0x2] =	stream.indirect.gather [hbm4b:s6+s15], $0x40, s1, s15, $0xb8;
	[tilespmem:$0x11380] =	vst v63  }
0x1db: {  	s31 =	sadd.s32 $0x1, s31;
	s0 =	sadd.s32 $0x2D8, s0  }
0x1dc: {  	[tilespmem:s22], [sflag:$0x2] =	stream.indirect.gather [hbm4b:s6+s17], $0x40, s0, s17, $0xb8;
	[tilespmem:$0x11380] =	vst v63  }
.LBB2_9:
0x1dd: {  	_ =	sfence.sel $0x180000  }
0x1de: {  	[bflag:$0x0] =	sbarrier.arrive $0xFFFF  }
0x1df: {  	_ =	strace $0x90000047  }
0x1e0: {  	s0 =	stileid.u32;
	[bflag:$0x2] =	sbarrier.arrive $0xFFFF  }
0x1e1: {  	p0 =	sne.s32 s0, $0x0;
	s0 =	rddreg [dreg:$0x4]  }
0x1e2: {  	s0 =	sadd.s32 @!p0 $0x100000, s0  }
0x1e3: {  	[sflag:s0] =	ssyncadd.tile.s32 @!p0 $0x1;
	_ =	shalt  }
.Lfunc_end2:
_tile_overlayer_lowered:
.L_overlay_start_2:
0x1e4: {  	(tag) =	ssettag $0x2  }
0x1e5: {  	s0 =	rddreg [dreg:$0x0];
	s2 =	stileid.u32  }
0x1e6: {  	s1 =	rddreg [dreg:$0x1];
	p0 =	sne.s32 s2, $0x0  }
0x1e7: {  	s3 =	rddreg [dreg:$0x2];
	[bflag:$0x3] =	sbarrier.arrive $0xFFFF;
	s2 =	simm.s32 @!p0 $0x1C05  }
0x1e8: {  	[timem:s3], [sflag:s2] =	dma.local @!p0 [hbm:s0], s1  }
0x1e9: {  	s0 =	simm.s32 @!p0 $0x5  }
0x1ea: {  	_ =	swait.ge @!p0 [sflag:s0], s1  }
0x1eb: {  	s1 =	ssub.s32 @!p0 $0x0, s1;
	[sflag:s0] =	ssyncset.done @!p0 $0x0  }
0x1ec: {  	[sflag:s0] =	ssyncadd.s32 @!p0 s1  }
0x1ed: {  	[bflag:$0x3] =	sbarrier.arrive $0xFFFF  }
0x1ee: {  	_ =	shalt  }

// kernel: sparse-core-data-format-call.cloned.1.call-start
scs
called_computation_lowered:
.L_overlay_start_0:
0x0: {  	s2 =	sld [smem:$0x3FD9]  }
0x1: {  	s3 =	sld [smem:$0x3FFE];
	_ =	sdelay $0x1  }
0x2: {  	s1 =	srdreg.scid  }
0x3: {  	s0 =	sand.u32 $0x1, s1  }
0x4: {  	s18 =	sshll.u32 s0, $0xA;
	s2 =	sadd.s32 s3, s2  }
0x5: {  	s2 =	sadd.s32 s2, s18  }
0x6: {  	[smem:$0x3FC3] =	sst s2  }
0x7: {  	_ = 	snop  }
0x8: {  	s2 =	sld [smem:$0x3FD0];
	(tm) =	ssettm $0x1  }
0x9: {  	s19 =	sld [smem:$0x3FFB];
	_ =	sdelay $0x3  }
0xa: {  	_ =	strace s19  }
0xb: {  	s3 =	sld [smem:$0x3FFC];
	_ =	sdelay $0x3  }
0xc: {  	_ =	strace s3  }
0xd: {  	s3 =	sld [smem:$0x3FFD];
	_ =	sdelay $0x3  }
0xe: {  	_ =	strace s3  }
0xf: {  	_ =	strace $0x8FFFFFFF  }
0x10: {  	s20 =	sld [smem:$0x3FDB];
	_ =	sdelay $0x1  }
0x11: {  	s4 =	simm.s32 $_scs_section_size  }
0x12: {  	s5 =	simm.s32 $_size__tile_overlayer_lowered;
	s6 =	simm.s32 $_tile_overlayer_lowered  }
0x13: {  	s23 =	simm.s32 $0x1BFF;
	s22 =	sshll.u32 s6, $0x1;
	s3 =	sadd.s32 s4, s20  }
0x14: {  	s7 =	simm.s32 $0x0;
	s21 =	sshll.u32 s5, $0x1;
	s5 =	sadd.s32 s22, s3  }
0x15: {  	[timem:s7], [sflag:s23] =	dma.local [hbm:s5], s21  }
0x16: {  	_ =	swait.ge [sflag:s23], s21  }
0x17: {  	s4 =	ssub.s32 $0x0, s21;
	[sflag:s23] =	ssyncset.done $0x0  }
0x18: {  	[sflag:s23] =	ssyncadd.s32 s4;
	_ =	sdelay $0x1  }
0x19: {  	s24 =	simm.s32 $0x1B8B  }
0x1a: {  	_ =	swait.ge [sflag:s24], $0x1  }
0x1b: {  	[sflag:s24] =	ssyncset.done $0x0  }
0x1c: {  	s26 =	simm.s32 $0x1B8E;
	s25 =	sld [smem:$0x3FFE];
	[sflag:s24] =	ssyncadd.s32 $0xFFFFFFFF  }
0x1d: {  	s27 =	simm.s32 $execute0_lowered;
	[smem:$0x3FD2] =	sst s26  }
0x1e: {  	s5 =	sshll.u32 s27, $0x1;
	_ =	strace $0x80000049;
	[dreg:$0x1] =	wrdreg $0xFFFFFFFF  }
0x1f: {  	s28 =	simm.s32 $_size_execute0_lowered;
	s3 =	sadd.s32 s3, s5;
	[dreg:$0x0] =	wrdreg $0x0  }
0x20: {  	s5 =	sshll.u32 s28, $0x1;
	[dreg:$0x2] =	wrdreg s3  }
0x21: {  	[dreg:$0x3] =	wrdreg s5  }
0x22: {  	[dreg:$0x4] =	wrdreg $0xC0  }
0x23: {  	_ =	task [dreg:s7], $0x5FFFF  }
0x24: {  	[dreg:$0x1] =	wrdreg $0xFFFFFFFF  }
0x25: {  	[dreg:$0x0] =	wrdreg $0x60  }
0x26: {  	[dreg:$0x2] =	wrdreg s25  }
0x27: {  	[dreg:$0x3] =	wrdreg s2  }
0x28: {  	[dreg:$0x4] =	wrdreg $0x9  }
0x29: {  	_ =	task.clear_ibuf [dreg:s7], $0x5FFFF;
	_ =	strace $0x90000049  }
0x2a: {  	s29 =	simm.s32 $0x9;
	_ =	strace $0x8000004B  }
0x2b: {  	_ =	swait.ge [sflag:s29], $0x1  }
0x2c: {  	[sflag:s29] =	ssyncadd.s32 $0xFFFFFFFF  }
0x2d: {  	_ =	strace $0x9000004B  }
0x2e: {  	_ =	sfence  }
0x2f: {  	s30 =	sld [smem:$0x0];
	_ =	sdelay $0x2  }
0x30: {  	s31 =	sshll.u32 s1, $0xD;
	s1 =	sshrl.u32 s1, $0x2  }
0x31: {  	s3 =	sand.u32 $0x4000, s31;
	s1 =	sadd.s32 s1, s30  }
0x32: {  	s0 =	sor.u32 s3, s0;
	s1 =	sshll.u32 s1, $0x11  }
0x33: {  	s0 =	sor.u32 s1, s0  }
0x34: {  	s0 =	sadd.s32 $0x8F2B, s0  }
0x35: {  	[sflag:s0] =	ssyncadd.remote.s32 $0x1  }
0x36: {  	_ =	sfence.sel $0xFFFF  }
0x37: {  	[dreg:$0x0] =	wrdreg $0xFFFFFFFF;
	(pc) =	sbr.abs _section_cstart, $3  }
0x38: {  	[dreg:$0x1] =	wrdreg $0xFFFFFFFF  }
0x39: {  	_ =	task.clear_ibuf [dreg:s7], $0x2FFFF;
	_ =	strace $0x9FFFFFFF  }
0x3a: {  	(tm) =	ssettm $0x7FFFFFFF  }
0x3b: {  	_ =	shalt  }
tec
execute0_lowered:
.L_overlay_start_1:
0x0: {  	(tag) =	ssettag $0x1  }
0x1: {  	s0 =	stileid.u32;
	s6 =	rddreg [dreg:$0x0]  }
0x2: {  	s2 =	rddreg [dreg:$0x1];
	s5 =	srdreg.scid  }
0x3: {  	s31 =	simm.s32 $0x2;
	s13 =	simm.s32 $0x0;
	s1 =	sshll.u32 s0, $0x7  }
0x4: {  	s14 =	simm.s32 $0x0;
	s12 =	simm.s32 $0x0;
	s3 =	sand.u32 $0x380, s1  }
0x5: {  	s5 =	sshll.u32 s5, $0x4;
	s6 =	sadd.s32 $0x800, s6;
	s4 =	ssub.s32 $0x400, s3  }
0x6: {  	s1 =	rddreg [dreg:$0x2];
	_ =	strace $0x8000004A;
	s7 =	sand.u32 $0x380, s4  }
0x7: {  	s5 =	sand.u32 $0x10, s5;
	p0 =	sne.s32 s7, $0x0;
	s7 =	simm.s32 $0x1  }
.Ltmp0:
0x8: {  	s8 =	sshrl.u32 s4, $0xA;
	s7 =	simm.s32 @!p0 $0x0;
	(pc) =	sbr.rel .LBB1_1-.Ltmp0, $4  }
0x9: {  	s9 =	sor.u32 s0, s5;
	s4 =	simm.s32 $0x1;
	s30 =	sadd.s32 s7, s8  }
0xa: {  	s11 =	smov.u32 s3;
	[sflag:s4] =	ssyncpa.u1 $0x0;
	s5 =	smul.u32 $0x32, s30  }
0xb: {  	[sflag:s31] =	ssyncpa.u1 $0x0;
	p0 =	por $0x0, $0x0;
	s7 =	sshrl.u32 s9, $0x3  }
0xc: {  	s9 =	simm.s32 $0x2000;
	s10 =	smov.u32 s7;
	s8 =	sor.u32 $0x1, s5  }
.LBB1_4:
0xd: {  	s17 =	sand.u32 $0x1F80, s14;
	s13 =	sshll.u32 s13, $0xD  }
0xe: {  	[tilespmem:s16+$0x810 ss:$0x81] =	vst.msk $0xffff, v2;
	s18 =	sshrl.u32 s14, $0x3;
	s31 =	sand.u32 $0x7, s14;
	s17 =	sadd.s32 s2, s17  }
0xf: {  	[tilespmem:s16+$0x1020 ss:$0x81] =	vst.msk $0xffff, v0;
	s18 =	sand.u32 $0xF, s18;
	s14 =	sshll.u32 s31, $0x12;
	s13 =	sadd.s32 s13, s17  }
0x10: {  	[tilespmem:s16+$0x0 ss:$0x81] =	vst.msk $0xffff, v1;
	s14 =	sor.u32 $0x400, s14;
	s13 =	sadd.s32 s18, s13  }
0x11: {  	[hbm4b:s13+s14] =	stream.strided.scatter [tilespmem:s15], [sflag:$0x2], $0x2000, s9, s14, $0x20;
	[tilespmem:$0x8080] =	vst v63  }
.LBB1_5:
0x12: {  	s15 =	sadd.s32 $0x4, s10  }
0x13: {  	s13 =	sadd.s32 $0x400, s11;
	s17 =	smov.u32 s11;
	p2 =	sgt.s32 s15, $0xC7  }
0x14: {  	s17 =	smov.u32 @p2 s13  }
0x15: {  	s15 =	smov.u32 @p2 s7;
	p2 =	sgt.s32 s17, $0x3FF  }
0x16: {  	s17 =	smov.u32 @p2 s3;
	p2 =	sne.s32 s12, s8  }
.Ltmp1:
0x17: {  	p1 =	slt.u32 s12, $0x2;
	(pc) =	sbr.rel @!p2 .LBB1_6-.Ltmp1, $4  }
0x18: {  	s16 =	simm.s32 @!p1 $0x2  }
0x19: {  	s14 =	smov.u32 s11;
	p0 =	por !p0, !p0;
	_ =	swait.ge @!p1 [sflag:s16], $0x2000  }
0x1a: {  	s13 =	smov.u32 s10;
	[sflag:s16] =	ssyncset.done @!p1 $0x0;
	s10 =	smov.u32 s15  }
0x1b: {  	s12 =	sadd.s32 $0x1, s12;
	[sflag:s16] =	ssyncadd.s32 @!p1 $0xFFFFE000;
	s11 =	smov.u32 s17  }
.LBB1_1:
0x1c: {  	p1 =	sge.u32 s12, s5  }
0x1d: {  	s15 =	sand.u32 @!p1 $0x1FFFFFF, s10  }
0x1e: {  	s16 =	smulhi.u32 @!p1 $0x147AE15, s15;
	_ =	sdelay $0x1  }
0x1f: {  	s16 =	smul.u32 @!p1 $0xC8, s16  }
0x20: {  	s17 =	sxor.u32 @!p1 $0xFFFFFFFF, s12;
	s18 =	smul.u32 @!p1 $0xC80, s11  }
0x21: {  	s31 =	sadd.s32 $0xFFFFFFFF, s12;
	s17 =	sshll.u32 @!p1 s17, $0xD;
	s15 =	ssub.s32 @!p1 s15, s16  }
0x22: {  	s16 =	sand.u32 @!p1 $0x2000, s17;
	s17 =	sadd.s32 @!p1 s6, s18;
	s15 =	sshll.u32 @!p1 s15, $0x4  }
0x23: {  	s18 =	simm.s32 @!p1 $0x6400;
	s15 =	sadd.s32 @!p1 s15, s17;
	s17 =	simm.s32 @!p1 $0x40  }
0x24: {  	[tilespmem:s16], [sflag:$0x1] =	stream.strided.gather @!p1 [hbm4b:s15+s17], $0x2000, s18, s17, $0x38;
	[tilespmem:$0x8080] =	vst v63  }
0x25: {  	p1 =	sge.u32 s31, s5  }
.Ltmp2:
0x26: {  	_ = 	snop;
	(pc) =	sbr.rel @p1 .LBB1_5-.Ltmp2, $1  }
0x27: {  	_ =	sdelay $0x3  }
0x28: {  	s15 =	simm.s32 $0x1  }
0x29: {  	_ =	swait.ge [sflag:s4], $0x2000;
	s15 =	simm.s32 @!p0 $0x0  }
0x2a: {  	[sflag:s4] =	ssyncset.done $0x0;
	s16 =	sshll.u32 s15, $0xD  }
0x2b: {  	[sflag:s4] =	ssyncadd.s32 $0xFFFFE000;
	s19 =	sor.u32 $0x20, s16  }
0x2c: {  	s15 =	smul.u32 $0x8100, s15;
	v3 =	vld [tilespmem:s19+$0x10]  }
0x2d: {  	s30 =	sand.u32 $0x1, s12;
	v2 =	vld [tilespmem:s19+$0xFFFFFFF0]  }
0x2e: {  	s16 =	smul.u32 $0x8100, s30;
	s15 =	sshrl.u32 s15, $0x2;
	v0 =	vld [tilespmem:s19+$0x0]  }
0x2f: {  	v1 =	vld [tilespmem:s19+$0xFFFFFFE0];
	s17 =	sor.u32 $0x4000, s15  }
0x30: {  	s31 =	sshrl.u32 s16, $0x2;
	s16 =	sadd.s32 $0x0, s17  }
0x31: {  	s18 =	simm.s32 $0x4;
	s19 =	sadd.s32 $0x40, s19;
	s15 =	sor.u32 $0x4000, s31;
	[tilespmem:s16+$0x1830 ss:$0x81] =	vst.msk $0xffff, v3  }
.LBB1_3:
0x32: {  	v3 =	vld [tilespmem:s19+$0x10];
	p1 =	sne.s32 s18, $0x1FC;
	[tilespmem:s16+$0x810 ss:$0x81] =	vst.msk $0xffff, v2;
	s20 =	smov.u32 s18;
	s18 =	sadd.s32 $0x4, s18  }
.Ltmp3:
0x33: {  	v2 =	vld [tilespmem:s19+$0xFFFFFFF0];
	[tilespmem:s16+$0x1020 ss:$0x81] =	vst.msk $0xffff, v0;
	(pc) =	sbr.rel @p1 .LBB1_3-.Ltmp3, $4  }
0x34: {  	v0 =	vld [tilespmem:s19+$0x0];
	[tilespmem:s16+$0x0 ss:$0x81] =	vst.msk $0xffff, v1  }
0x35: {  	s16 =	sshra.s32 s20, $0x2;
	v1 =	vld [tilespmem:s19+$0xFFFFFFE0]  }
0x36: {  	s16 =	sadd.s32 s16, s17  }
0x37: {  	s19 =	sadd.s32 $0x40, s19;
	[tilespmem:s16+$0x1830 ss:$0x81] =	vst.msk $0xffff, v3  }
.Ltmp4:
0x38: {  	_ = 	snop;
	(pc) =	sbr.rel .LBB1_4-.Ltmp4, $1  }
0x39: {  	_ =	sdelay $0x3  }
.LBB1_6:
0x3a: {  	_ =	sfence.sel $0x180000  }
0x3b: {  	s2 =	simm.s32 $0x1;
	[bflag:$0x0] =	sbarrier.arrive $0xFFFF  }
0x3c: {  	s31 =	simm.s32 $0x2;
	[sflag:s2] =	ssyncpa.u1 $0x1  }
0x3d: {  	[sflag:s31] =	ssyncpa.u1 $0x1  }
0x3e: {  	p0 =	sne.s32 s0, $0x0;
	_ =	strace $0x9000004A  }
0x3f: {  	s0 =	sadd.s32 @!p0 $0x100000, s1;
	[bflag:$0x2] =	sbarrier.arrive $0xFFFF  }
0x40: {  	[sflag:s0] =	ssyncadd.tile.s32 @!p0 $0x1;
	_ =	shalt  }
.Lfunc_end1:
_tile_overlayer_lowered:
.L_overlay_start_2:
0x41: {  	(tag) =	ssettag $0x2  }
0x42: {  	s0 =	rddreg [dreg:$0x0];
	s2 =	stileid.u32  }
0x43: {  	s1 =	rddreg [dreg:$0x1];
	p0 =	sne.s32 s2, $0x0  }
0x44: {  	s3 =	rddreg [dreg:$0x2];
	[bflag:$0x3] =	sbarrier.arrive $0xFFFF;
	s2 =	simm.s32 @!p0 $0x1C01  }
0x45: {  	[timem:s3], [sflag:s2] =	dma.local @!p0 [hbm:s0], s1  }
0x46: {  	s0 =	simm.s32 @!p0 $0x1  }
0x47: {  	_ =	swait.ge @!p0 [sflag:s0], s1  }
0x48: {  	s1 =	ssub.s32 @!p0 $0x0, s1;
	[sflag:s0] =	ssyncset.done @!p0 $0x0  }
0x49: {  	[sflag:s0] =	ssyncadd.s32 @!p0 s1  }
0x4a: {  	[bflag:$0x3] =	sbarrier.arrive $0xFFFF  }
0x4b: {  	_ =	shalt  }

</sc_bundles>
